<compile_context>
chip_gen: v7x
topology: tpu7x:2x2x1
jax: 0.10.2.dev20260603
libtpu: 0.0.44.dev20260713+nightly
codegen_flags: <defaults>
</compile_context>

<pallas_src>
import functools

import jax
import jax.numpy as jnp
from jax import lax
from jax.experimental import pallas as pl
from jax.experimental.pallas import tpu as pltpu
from jax.experimental.pallas import tpu_sc as plsc

CH = 80
FS = 64
NCORE = 2
NSUB = 16
NW = NCORE * NSUB


def _mesh():
    return plsc.VectorSubcoreMesh(core_axis_name="c", subcore_axis_name="s")


def _make_deg(N, E):
    nch = E // NW // CH

    @functools.partial(
        pl.kernel,
        out_type=jax.ShapeDtypeStruct((NCORE, N), jnp.float32),
        mesh=_mesh(),
        compiler_params=pltpu.CompilerParams(use_tc_tiling_on_sc=False),
        scratch_types=[
            pltpu.VMEM((nch, CH), jnp.int32),
            pltpu.VMEM((CH,), jnp.float32),
            pltpu.VMEM_SHARED((N,), jnp.float32),
        ],
    )
    def deg_kernel(dst_hbm, zeros_hbm, out_hbm, idx_v, ones_v, acc):
        c = lax.axis_index("c")
        s = lax.axis_index("s")
        wid = c * NSUB + s
        rb = (N // NSUB) & ~7
        rlast = N - (NSUB - 1) * rb
        for j in range(CH // 16):
            ones_v[pl.ds(j * 16, 16)] = jnp.ones((16,), jnp.float32)

        @pl.when(s < NSUB - 1)
        def _():
            pltpu.sync_copy(zeros_hbm.at[pl.ds(s * rb, rb)],
                            acc.at[pl.ds(s * rb, rb)])

        @pl.when(s == NSUB - 1)
        def _():
            pltpu.sync_copy(zeros_hbm.at[pl.ds((NSUB - 1) * rb, rlast)],
                            acc.at[pl.ds((NSUB - 1) * rb, rlast)])

        pltpu.sync_copy(dst_hbm.at[wid], idx_v)
        plsc.subcore_barrier()

        def body(i, carry):
            pltpu.sync_copy(ones_v, acc.at[idx_v.at[i]], add=True)
            return carry

        lax.fori_loop(0, nch, body, 0)
        plsc.subcore_barrier()
        out_c = out_hbm.at[c]

        @pl.when(s < NSUB - 1)
        def _():
            pltpu.sync_copy(acc.at[pl.ds(s * rb, rb)],
                            out_c.at[pl.ds(s * rb, rb)])

        @pl.when(s == NSUB - 1)
        def _():
            pltpu.sync_copy(acc.at[pl.ds((NSUB - 1) * rb, rlast)],
                            out_c.at[pl.ds((NSUB - 1) * rb, rlast)])

    return deg_kernel


def _make_agg(N, E, npass):
    nch = E // NSUB // CH
    nbuf = 8

    @functools.partial(
        pl.kernel,
        out_type=jax.ShapeDtypeStruct((NCORE * npass, N, FS), jnp.float32),
        mesh=_mesh(),
        compiler_params=pltpu.CompilerParams(use_tc_tiling_on_sc=False),
        scratch_types=[
            pltpu.VMEM((npass, nch, CH), jnp.int32),
            pltpu.VMEM((nch, CH), jnp.int32),
            pltpu.VMEM((nbuf, CH, FS), jnp.float32),
            pltpu.VMEM_SHARED((N, FS), jnp.float32),
            pltpu.SemaphoreType.DMA((nbuf,)),
            pltpu.SemaphoreType.DMA((nbuf,)),
        ],
    )
    def agg_kernel(table_hbm, gidx_hbm, didx_hbm, zeros_hbm, out_hbm,
                   gidx_v, didx_v, bufs, acc, gsems, ssems):
        c = lax.axis_index("c")
        s = lax.axis_index("s")
        wid = c * NSUB + s
        pltpu.sync_copy(didx_hbm.at[wid], didx_v)
        pltpu.sync_copy(gidx_hbm.at[wid], gidx_v)

        rb = (N // NSUB) & ~7
        rlast = N - (NSUB - 1) * rb

        for p in range(npass):
            @pl.when(s < NSUB - 1)
            def _():
                pltpu.sync_copy(zeros_hbm.at[pl.ds(s * rb, rb)],
                                acc.at[pl.ds(s * rb, rb)])

            @pl.when(s == NSUB - 1)
            def _():
                pltpu.sync_copy(
                    zeros_hbm.at[pl.ds((NSUB - 1) * rb, rlast)],
                    acc.at[pl.ds((NSUB - 1) * rb, rlast)])

            plsc.subcore_barrier()
            gv = gidx_v.at[p]

            def gat(i, k):
                return pltpu.make_async_copy(
                    table_hbm.at[gv.at[i]], bufs.at[k], gsems.at[k])

            def scat(i, k):
                return pltpu.make_async_copy(
                    bufs.at[k], acc.at[didx_v.at[i]], ssems.at[k])

            for j in range(nbuf - 1):
                gat(j, j).start()

            def body(i, carry):
                k = lax.rem(i, nbuf)
                gat(i, k).wait()
                scat(i, k).start(add=True)
                k2 = lax.rem(i + nbuf - 1, nbuf)

                @pl.when(i >= 1)
                def _():
                    scat(i - 1, k2).wait()

                @pl.when(i + nbuf - 1 < nch)
                def _():
                    gat(i + nbuf - 1, k2).start()

                return carry

            lax.fori_loop(0, nch, body, 0)
            scat(nch - 1, lax.rem(nch - 1, nbuf)).wait()
            plsc.subcore_barrier()
            out_p = out_hbm.at[c * npass + p]

            @pl.when(s < NSUB - 1)
            def _():
                pltpu.sync_copy(acc.at[pl.ds(s * rb, rb)],
                                out_p.at[pl.ds(s * rb, rb)])

            @pl.when(s == NSUB - 1)
            def _():
                pltpu.sync_copy(
                    acc.at[pl.ds((NSUB - 1) * rb, rlast)],
                    out_p.at[pl.ds((NSUB - 1) * rb, rlast)])

            plsc.subcore_barrier()

    return agg_kernel


def _tc1(x, degp, bm):
    N, D = x.shape
    ns = D // FS
    grid = (N // bm,)

    def body(x_ref, d_ref, y_ref, dinv_ref):
        deg = d_ref[0] + d_ref[1] + 1.0
        dinv = lax.rsqrt(deg)
        y = x_ref[...] * dinv
        for q in range(ns):
            y_ref[q] = y[:, q * FS:(q + 1) * FS]
        dinv_ref[...] = dinv

    return pl.pallas_call(
        body,
        grid=grid,
        in_specs=[
            pl.BlockSpec((bm, D), lambda i: (i, 0)),
            pl.BlockSpec((2, bm, 1), lambda i: (0, i, 0)),
        ],
        out_specs=[
            pl.BlockSpec((ns, bm, FS), lambda i: (0, i, 0)),
            pl.BlockSpec((bm, 1), lambda i: (i, 0)),
        ],
        out_shape=[
            jax.ShapeDtypeStruct((ns, N, FS), jnp.float32),
            jax.ShapeDtypeStruct((N, 1), jnp.float32),
        ],
    )(x, degp)


def _tc2(Sx, y, dinv, b1, W1, W2, bm):
    N = dinv.shape[0]
    D, H = W1.shape
    DO = W2.shape[1]
    ns_in = D // FS
    ns_out = DO // FS
    grid = (N // bm,)

    def body(s_ref, y_ref, dinv_ref, b_ref, w1_ref, w2_ref, out_ref):
        dv = dinv_ref[...]
        a = jnp.concatenate(
            [s_ref[q] + y_ref[q] for q in range(ns_in)], axis=1)
        z = jnp.dot(a, w1_ref[...], preferred_element_type=jnp.float32)
        h = jnp.maximum(dv * z + b_ref[...], 0.0)
        g2 = jnp.dot(dv * h, w2_ref[...],
                     preferred_element_type=jnp.float32)
        for q in range(ns_out):
            out_ref[q] = g2[:, q * FS:(q + 1) * FS]

    return pl.pallas_call(
        body,
        grid=grid,
        in_specs=[
            pl.BlockSpec((ns_in, bm, FS), lambda i: (0, i, 0)),
            pl.BlockSpec((ns_in, bm, FS), lambda i: (0, i, 0)),
            pl.BlockSpec((bm, 1), lambda i: (i, 0)),
            pl.BlockSpec((1, H), lambda i: (0, 0)),
            pl.BlockSpec((D, H), lambda i: (0, 0)),
            pl.BlockSpec((H, DO), lambda i: (0, 0)),
        ],
        out_specs=pl.BlockSpec((ns_out, bm, FS), lambda i: (0, i, 0)),
        out_shape=jax.ShapeDtypeStruct((ns_out, N, FS), jnp.float32),
    )(Sx, y, dinv, b1, W1, W2)


def _tc3(S2, g2, dinv, b2, bm):
    DO = b2.shape[1]
    ns = DO // FS
    N = dinv.shape[0]
    grid = (N // bm,)

    def body(s_ref, g_ref, dinv_ref, b_ref, out_ref):
        dv = dinv_ref[...]
        b = b_ref[...]
        for q in range(ns):
            out_ref[:, q * FS:(q + 1) * FS] = jnp.maximum(
                dv * (s_ref[q] + g_ref[q]) + b[:, q * FS:(q + 1) * FS], 0.0)

    return pl.pallas_call(
        body,
        grid=grid,
        in_specs=[
            pl.BlockSpec((ns, bm, FS), lambda i: (0, i, 0)),
            pl.BlockSpec((ns, bm, FS), lambda i: (0, i, 0)),
            pl.BlockSpec((bm, 1), lambda i: (i, 0)),
            pl.BlockSpec((1, DO), lambda i: (0, 0)),
        ],
        out_specs=pl.BlockSpec((bm, DO), lambda i: (i, 0)),
        out_shape=jax.ShapeDtypeStruct((N, DO), jnp.float32),
    )(S2, g2, dinv, b2)


def kernel(x, edge_index, W1, b1, W2, b2):
    N, D = x.shape
    E = edge_index.shape[1]
    H = W1.shape[1]
    DO = W2.shape[1]
    assert E % (NW * CH) == 0 and N % NSUB == 0
    assert D == 2 * FS and DO == 2 * FS

    src = edge_index[0]
    dst = edge_index[1]
    zeros1 = jnp.zeros((N,), jnp.float32)
    zeros2 = jnp.zeros((N, FS), jnp.float32)
    bm = 1000

    nch_w = E // NW // CH
    nch_s = E // NSUB // CH
    src16 = src.reshape(NSUB, nch_s, CH)
    dst16 = dst.reshape(NSUB, nch_s, CH)
    didx = jnp.concatenate([dst16, dst16], axis=0)

    offs = (jnp.arange(NCORE, dtype=src.dtype) * N).reshape(NCORE, 1, 1, 1)
    gidx = (src16[:, None] + offs[:, None]).reshape(NW, 1, nch_s, CH)
    agg = _make_agg(N, E, 1)

    degp = _make_deg(N, E)(dst.reshape(NW, nch_w, CH), zeros1)

    y, dinv = _tc1(x, degp.reshape(NCORE, N, 1), bm)

    Sx = agg(y.reshape(2 * N, FS), gidx, didx, zeros2)

    g2 = _tc2(Sx, y, dinv, b1.reshape(1, H), W1, W2, bm)

    S2 = agg(g2.reshape(2 * N, FS), gidx, didx, zeros2)

    return _tc3(S2, g2, dinv, b2.reshape(1, DO), bm)

# --- scband reference (transcript-rebuilt; emitter-appended) ---
"""Pipeline reference for scband-gcn-dropout-28243704939123 (READ-ONLY COPY).

The authoritative reference and input builder live on the scoring server;
editing this copy changes nothing except your own understanding.
"""

import jax, jax.numpy as jnp
import numpy as np

N = 10000
E = 320000
D_IN = 128
DIM_H = 128
FACTOR = 2
H = FACTOR * DIM_H  # 256
D_OUT = DIM_H       # 128


def setup_inputs(seed: int = 0) -> dict:
    key = jax.random.key(seed)
    k1, k2, k3, k4, k5, k6 = jax.random.split(key, 6)
    x = jax.random.normal(k1, (N, D_IN), dtype=jnp.float32)
    edge_index = jax.random.randint(k2, (2, E), 0, N, dtype=jnp.int32)
    W1 = jax.random.normal(k3, (D_IN, H), dtype=jnp.float32) * (1.0 / np.sqrt(D_IN))
    b1 = jax.random.normal(k4, (H,), dtype=jnp.float32) * 0.01
    W2 = jax.random.normal(k5, (H, D_OUT), dtype=jnp.float32) * (1.0 / np.sqrt(H))
    b2 = jax.random.normal(k6, (D_OUT,), dtype=jnp.float32) * 0.01
    return {"x": x, "edge_index": edge_index, "W1": W1, "b1": b1, "W2": W2, "b2": b2}


def _gcn_conv(x, src, dst, W, b):
    # PyG GCNConv: add self-loops, symmetric normalization, linear, scatter-add aggregate, bias.
    n = x.shape[0]
    loop = jnp.arange(n, dtype=src.dtype)
    src = jnp.concatenate([src, loop])
    dst = jnp.concatenate([dst, loop])
    h = x @ W
    ones = jnp.ones(src.shape[0], dtype=h.dtype)
    deg = jnp.zeros((n,), dtype=h.dtype).at[dst].add(ones)
    dinv = jnp.where(deg > 0, jax.lax.rsqrt(deg), 0.0)
    norm = dinv[src] * dinv[dst]
    msgs = norm[:, None] * jnp.take(h, src, axis=0)
    out = jnp.zeros((n, W.shape[1]), dtype=h.dtype).at[dst].add(msgs)
    return out + b


def reference(x, edge_index, W1, b1, W2, b2):
    # GCN_Dropout.forward with num_layer=2, activation=relu, use_ln=False,
    # dropout p=0.0 (identity in eval / p=0).
    src = edge_index[0]
    dst = edge_index[1]
    h = jax.nn.relu(_gcn_conv(x, src, dst, W1, b1))
    out = jax.nn.relu(_gcn_conv(h, src, dst, W2, b2))
    return out

if __name__ == "__main__":
    import jax
    _d = setup_inputs()
    print(jax.jit(kernel)(*tuple(_d.values())))

</pallas_src>

<mosaic_0001>
#map = affine_map<(d0, d1) -> (0, 0)>
#map1 = affine_map<(d0, d1) -> (0, 0, 0, 0)>
#map2 = affine_map<(d0, d1) -> (0, 0, 0)>
module attributes {stable_mosaic.version = 14 : i64} {
  func.func @agg_kernel(%arg0: i32, %arg1: i32, %arg2: memref<20000x64xf32, #tpu.memory_space<hbm>>, %arg3: memref<32x1x250x80xi32, #tpu.memory_space<hbm>>, %arg4: memref<32x250x80xi32, #tpu.memory_space<hbm>>, %arg5: memref<10000x64xf32, #tpu.memory_space<hbm>>, %arg6: memref<2x10000x64xf32, #tpu.memory_space<hbm>>, %arg7: memref<1x250x80xi32, #tpu.memory_space<vmem>>, %arg8: memref<250x80xi32, #tpu.memory_space<vmem>>, %arg9: memref<8x80x64xf32, #tpu.memory_space<vmem>>, %arg10: memref<10000x64xf32, #tpu.memory_space<vmem_shared>>, %arg11: memref<8x!tpu.dma_semaphore, #tpu.memory_space<semaphore_mem>>, %arg12: memref<8x!tpu.dma_semaphore, #tpu.memory_space<semaphore_mem>>) attributes {dimension_semantics = [#tpu.dimension_semantics<core_parallel>, #tpu.dimension_semantics<subcore_parallel>], iteration_bounds = array<i64: 2, 16>, scalar_prefetch = 0 : i64, scratch_operands = 6 : i64, tpu.core_type = #tpu.core_type<sc_vector_subcore>, window_params = [{transform_indices = #map}, {transform_indices = #map1}, {transform_indices = #map2}, {transform_indices = #map}, {transform_indices = #map2}]} {
    %mul3A = arith.constant 16 : i32
    %mul3A_0 = arith.muli %arg0, %mul3A : i32
    %add3A = arith.addi %mul3A_0, %arg1 : i32
    "tpu.region"() ({
      %run_scoped3A = tpu.sem_alloc : memref<!tpu.dma_semaphore, #tpu.memory_space<semaphore_mem>>
      %dma_start3A_182 = arith.constant 0 : i32
      %dma_start3A_183 = arith.constant 0 : i32
      %dma_start3A_184 = tpu.memref_slice %arg4[%add3A, %dma_start3A_182, %dma_start3A_183] : memref<32x250x80xi32, #tpu.memory_space<hbm>> -> memref<1x250x80xi32, #tpu.memory_space<hbm>>
      %dma_start3A_185 = tpu.memref_squeeze %dma_start3A_184 : memref<1x250x80xi32, #tpu.memory_space<hbm>> -> memref<250x80xi32, #tpu.memory_space<hbm>>
      %dma_start3A_186 = arith.constant 0 : i32
      %dma_start3A_187 = arith.constant 0 : i32
      %dma_start3A_188 = tpu.memref_slice %arg4[%add3A, %dma_start3A_186, %dma_start3A_187] : memref<32x250x80xi32, #tpu.memory_space<hbm>> -> memref<1x250x80xi32, #tpu.memory_space<hbm>>
      %dma_start3A_189 = tpu.memref_squeeze %dma_start3A_188 : memref<1x250x80xi32, #tpu.memory_space<hbm>> -> memref<250x80xi32, #tpu.memory_space<hbm>>
      tpu.enqueue_dma source(%dma_start3A_189 : memref<250x80xi32, #tpu.memory_space<hbm>>) target(%arg8 : memref<250x80xi32, #tpu.memory_space<vmem>>) target_semaphore(%run_scoped3A : memref<!tpu.dma_semaphore, #tpu.memory_space<semaphore_mem>>)
      %dma_wait3A_190 = arith.constant 0 : i32
      %dma_wait3A_191 = arith.constant 0 : i32
      %dma_wait3A_192 = tpu.memref_slice %arg4[%add3A, %dma_wait3A_190, %dma_wait3A_191] : memref<32x250x80xi32, #tpu.memory_space<hbm>> -> memref<1x250x80xi32, #tpu.memory_space<hbm>>
      %dma_wait3A_193 = tpu.memref_squeeze %dma_wait3A_192 : memref<1x250x80xi32, #tpu.memory_space<hbm>> -> memref<250x80xi32, #tpu.memory_space<hbm>>
      %dma_wait3A_194 = arith.constant 0 : i32
      %dma_wait3A_195 = arith.constant 0 : i32
      %dma_wait3A_196 = tpu.memref_slice %arg4[%add3A, %dma_wait3A_194, %dma_wait3A_195] : memref<32x250x80xi32, #tpu.memory_space<hbm>> -> memref<1x250x80xi32, #tpu.memory_space<hbm>>
      %dma_wait3A_197 = tpu.memref_squeeze %dma_wait3A_196 : memref<1x250x80xi32, #tpu.memory_space<hbm>> -> memref<250x80xi32, #tpu.memory_space<hbm>>
      tpu.wait_dma2 semaphore(%run_scoped3A : memref<!tpu.dma_semaphore, #tpu.memory_space<semaphore_mem>>) src(%dma_wait3A_197 : memref<250x80xi32, #tpu.memory_space<hbm>>) dst(%arg8 : memref<250x80xi32, #tpu.memory_space<vmem>>)
      tpu.yield
    }) : () -> ()
    "tpu.region"() ({
      %run_scoped3A = tpu.sem_alloc : memref<!tpu.dma_semaphore, #tpu.memory_space<semaphore_mem>>
      %dma_start3A_182 = arith.constant 0 : i32
      %dma_start3A_183 = arith.constant 0 : i32
      %dma_start3A_184 = arith.constant 0 : i32
      %dma_start3A_185 = tpu.memref_slice %arg3[%add3A, %dma_start3A_182, %dma_start3A_183, %dma_start3A_184] : memref<32x1x250x80xi32, #tpu.memory_space<hbm>> -> memref<1x1x250x80xi32, #tpu.memory_space<hbm>>
      %dma_start3A_186 = tpu.memref_squeeze %dma_start3A_185 : memref<1x1x250x80xi32, #tpu.memory_space<hbm>> -> memref<1x250x80xi32, #tpu.memory_space<hbm>>
      %dma_start3A_187 = arith.constant 0 : i32
      %dma_start3A_188 = arith.constant 0 : i32
      %dma_start3A_189 = arith.constant 0 : i32
      %dma_start3A_190 = tpu.memref_slice %arg3[%add3A, %dma_start3A_187, %dma_start3A_188, %dma_start3A_189] : memref<32x1x250x80xi32, #tpu.memory_space<hbm>> -> memref<1x1x250x80xi32, #tpu.memory_space<hbm>>
      %dma_start3A_191 = tpu.memref_squeeze %dma_start3A_190 : memref<1x1x250x80xi32, #tpu.memory_space<hbm>> -> memref<1x250x80xi32, #tpu.memory_space<hbm>>
      tpu.enqueue_dma source(%dma_start3A_191 : memref<1x250x80xi32, #tpu.memory_space<hbm>>) target(%arg7 : memref<1x250x80xi32, #tpu.memory_space<vmem>>) target_semaphore(%run_scoped3A : memref<!tpu.dma_semaphore, #tpu.memory_space<semaphore_mem>>)
      %dma_wait3A_192 = arith.constant 0 : i32
      %dma_wait3A_193 = arith.constant 0 : i32
      %dma_wait3A_194 = arith.constant 0 : i32
      %dma_wait3A_195 = tpu.memref_slice %arg3[%add3A, %dma_wait3A_192, %dma_wait3A_193, %dma_wait3A_194] : memref<32x1x250x80xi32, #tpu.memory_space<hbm>> -> memref<1x1x250x80xi32, #tpu.memory_space<hbm>>
      %dma_wait3A_196 = tpu.memref_squeeze %dma_wait3A_195 : memref<1x1x250x80xi32, #tpu.memory_space<hbm>> -> memref<1x250x80xi32, #tpu.memory_space<hbm>>
      %dma_wait3A_197 = arith.constant 0 : i32
      %dma_wait3A_198 = arith.constant 0 : i32
      %dma_wait3A_199 = arith.constant 0 : i32
      %dma_wait3A_200 = tpu.memref_slice %arg3[%add3A, %dma_wait3A_197, %dma_wait3A_198, %dma_wait3A_199] : memref<32x1x250x80xi32, #tpu.memory_space<hbm>> -> memref<1x1x250x80xi32, #tpu.memory_space<hbm>>
      %dma_wait3A_201 = tpu.memref_squeeze %dma_wait3A_200 : memref<1x1x250x80xi32, #tpu.memory_space<hbm>> -> memref<1x250x80xi32, #tpu.memory_space<hbm>>
      tpu.wait_dma2 semaphore(%run_scoped3A : memref<!tpu.dma_semaphore, #tpu.memory_space<semaphore_mem>>) src(%dma_wait3A_201 : memref<1x250x80xi32, #tpu.memory_space<hbm>>) dst(%arg7 : memref<1x250x80xi32, #tpu.memory_space<vmem>>)
      tpu.yield
    }) : () -> ()
    %lt3A = arith.constant 15 : i32
    %lt3A_1 = arith.cmpi slt, %arg1, %lt3A : i32
    %convert_element_type3A = arith.extui %lt3A_1 : i1 to i32
    %cond3A = arith.constant 0 : i32
    %cond3A_2 = arith.cmpi ne, %convert_element_type3A, %cond3A : i32
    scf.if %cond3A_2 {
      %mul3A_182 = arith.constant 624 : i32
      %mul3A_183 = arith.muli %arg1, %mul3A_182 : i32
      %mul3A_184 = arith.constant 624 : i32
      %mul3A_185 = arith.muli %arg1, %mul3A_184 : i32
      "tpu.region"() ({
        %run_scoped3A = tpu.sem_alloc : memref<!tpu.dma_semaphore, #tpu.memory_space<semaphore_mem>>
        %dma_start3A_186 = arith.constant 0 : i32
        %dma_start3A_187 = tpu.memref_slice %arg10[%mul3A_185, %dma_start3A_186] : memref<10000x64xf32, #tpu.memory_space<vmem_shared>> -> memref<624x64xf32, #tpu.memory_space<vmem_shared>>
        %dma_start3A_188 = arith.constant 0 : i32
        %dma_start3A_189 = tpu.memref_slice %arg5[%mul3A_183, %dma_start3A_188] : memref<10000x64xf32, #tpu.memory_space<hbm>> -> memref<624x64xf32, #tpu.memory_space<hbm>>
        tpu.enqueue_dma source(%dma_start3A_189 : memref<624x64xf32, #tpu.memory_space<hbm>>) target(%dma_start3A_187 : memref<624x64xf32, #tpu.memory_space<vmem_shared>>) target_semaphore(%run_scoped3A : memref<!tpu.dma_semaphore, #tpu.memory_space<semaphore_mem>>)
        %dma_wait3A_190 = arith.constant 0 : i32
        %dma_wait3A_191 = tpu.memref_slice %arg10[%mul3A_185, %dma_wait3A_190] : memref<10000x64xf32, #tpu.memory_space<vmem_shared>> -> memref<624x64xf32, #tpu.memory_space<vmem_shared>>
        %dma_wait3A_192 = arith.constant 0 : i32
        %dma_wait3A_193 = tpu.memref_slice %arg5[%mul3A_183, %dma_wait3A_192] : memref<10000x64xf32, #tpu.memory_space<hbm>> -> memref<624x64xf32, #tpu.memory_space<hbm>>
        tpu.wait_dma2 semaphore(%run_scoped3A : memref<!tpu.dma_semaphore, #tpu.memory_space<semaphore_mem>>) src(%dma_wait3A_193 : memref<624x64xf32, #tpu.memory_space<hbm>>) dst(%dma_wait3A_191 : memref<624x64xf32, #tpu.memory_space<vmem_shared>>)
        tpu.yield
      }) : () -> ()
    } else {
    }
    %eq3A = arith.constant 15 : i32
    %eq3A_3 = arith.cmpi eq, %arg1, %eq3A : i32
    %convert_element_type3A_4 = arith.extui %eq3A_3 : i1 to i32
    %cond3A_5 = arith.constant 0 : i32
    %cond3A_6 = arith.cmpi ne, %convert_element_type3A_4, %cond3A_5 : i32
    scf.if %cond3A_6 {
      "tpu.region"() ({
        %run_scoped3A = tpu.sem_alloc : memref<!tpu.dma_semaphore, #tpu.memory_space<semaphore_mem>>
        %dma_start3A_182 = arith.constant 9360 : i32
        %dma_start3A_183 = arith.constant 0 : i32
        %dma_start3A_184 = tpu.memref_slice %arg10[%dma_start3A_182, %dma_start3A_183] : memref<10000x64xf32, #tpu.memory_space<vmem_shared>> -> memref<640x64xf32, #tpu.memory_space<vmem_shared>>
        %dma_start3A_185 = arith.constant 9360 : i32
        %dma_start3A_186 = arith.constant 0 : i32
        %dma_start3A_187 = tpu.memref_slice %arg5[%dma_start3A_185, %dma_start3A_186] : memref<10000x64xf32, #tpu.memory_space<hbm>> -> memref<640x64xf32, #tpu.memory_space<hbm>>
        tpu.enqueue_dma source(%dma_start3A_187 : memref<640x64xf32, #tpu.memory_space<hbm>>) target(%dma_start3A_184 : memref<640x64xf32, #tpu.memory_space<vmem_shared>>) target_semaphore(%run_scoped3A : memref<!tpu.dma_semaphore, #tpu.memory_space<semaphore_mem>>)
        %dma_wait3A_188 = arith.constant 9360 : i32
        %dma_wait3A_189 = arith.constant 0 : i32
        %dma_wait3A_190 = tpu.memref_slice %arg10[%dma_wait3A_188, %dma_wait3A_189] : memref<10000x64xf32, #tpu.memory_space<vmem_shared>> -> memref<640x64xf32, #tpu.memory_space<vmem_shared>>
        %dma_wait3A_191 = arith.constant 9360 : i32
        %dma_wait3A_192 = arith.constant 0 : i32
        %dma_wait3A_193 = tpu.memref_slice %arg5[%dma_wait3A_191, %dma_wait3A_192] : memref<10000x64xf32, #tpu.memory_space<hbm>> -> memref<640x64xf32, #tpu.memory_space<hbm>>
        tpu.wait_dma2 semaphore(%run_scoped3A : memref<!tpu.dma_semaphore, #tpu.memory_space<semaphore_mem>>) src(%dma_wait3A_193 : memref<640x64xf32, #tpu.memory_space<hbm>>) dst(%dma_wait3A_190 : memref<640x64xf32, #tpu.memory_space<vmem_shared>>)
        tpu.yield
      }) : () -> ()
    } else {
    }
    %barrier3A = arith.constant 0 : index
    tpu.barrier barrier_id(%barrier3A)
    %dma_start3A = arith.constant 0 : i32
    %dma_start3A_7 = arith.constant 0 : i32
    %dma_start3A_8 = arith.constant 0 : i32
    %dma_start3A_9 = arith.constant 0 : i32
    %dma_start3A_10 = arith.constant 0 : i32
    %dma_start3A_11 = arith.constant 0 : i32
    %dma_start3A_12 = tpu.memref_slice %arg9[%dma_start3A_8, %dma_start3A_10, %dma_start3A_11] : memref<8x80x64xf32, #tpu.memory_space<vmem>> -> memref<1x80x64xf32, #tpu.memory_space<vmem>>
    %dma_start3A_13 = tpu.memref_squeeze %dma_start3A_12 : memref<1x80x64xf32, #tpu.memory_space<vmem>> -> memref<80x64xf32, #tpu.memory_space<vmem>>
    %dma_start3A_14 = arith.constant 0 : i32
    %dma_start3A_15 = arith.constant 0 : i32
    %dma_start3A_16 = tpu.memref_slice %arg7[%dma_start3A, %dma_start3A_14, %dma_start3A_15] : memref<1x250x80xi32, #tpu.memory_space<vmem>> -> memref<1x250x80xi32, #tpu.memory_space<vmem>>
    %dma_start3A_17 = tpu.memref_squeeze %dma_start3A_16 : memref<1x250x80xi32, #tpu.memory_space<vmem>> -> memref<250x80xi32, #tpu.memory_space<vmem>>
    %dma_start3A_18 = arith.constant 0 : i32
    %dma_start3A_19 = tpu.memref_slice %dma_start3A_17[%dma_start3A_7, %dma_start3A_18] : memref<250x80xi32, #tpu.memory_space<vmem>> -> memref<1x80xi32, #tpu.memory_space<vmem>>
    %dma_start3A_20 = tpu.memref_squeeze %dma_start3A_19 : memref<1x80xi32, #tpu.memory_space<vmem>> -> memref<80xi32, #tpu.memory_space<vmem>>
    %dma_start3A_21 = arith.constant 0 : i32
    %dma_start3A_22 = arith.constant 0 : i32
    %dma_start3A_23 = tpu.memref_slice %arg2[%dma_start3A_21, %dma_start3A_22] : memref<20000x64xf32, #tpu.memory_space<hbm>> -> memref<20000x64xf32, #tpu.memory_space<hbm>>
    %dma_start3A_24 = tpu.memref_slice %arg11[%dma_start3A_9] : memref<8x!tpu.dma_semaphore, #tpu.memory_space<semaphore_mem>> -> memref<1x!tpu.dma_semaphore, #tpu.memory_space<semaphore_mem>>
    %dma_start3A_25 = tpu.memref_squeeze %dma_start3A_24 : memref<1x!tpu.dma_semaphore, #tpu.memory_space<semaphore_mem>> -> memref<!tpu.dma_semaphore, #tpu.memory_space<semaphore_mem>>
    tpu.enqueue_indirect_dma source(%dma_start3A_23 : memref<20000x64xf32, #tpu.memory_space<hbm>>) target(%dma_start3A_13 : memref<80x64xf32, #tpu.memory_space<vmem>>) offsets(%dma_start3A_20 : memref<80xi32, #tpu.memory_space<vmem>>) semaphore(%dma_start3A_25 : memref<!tpu.dma_semaphore, #tpu.memory_space<semaphore_mem>>)
    %dma_start3A_26 = arith.constant 0 : i32
    %dma_start3A_27 = arith.constant 1 : i32
    %dma_start3A_28 = arith.constant 1 : i32
    %dma_start3A_29 = arith.constant 1 : i32
    %dma_start3A_30 = arith.constant 0 : i32
    %dma_start3A_31 = arith.constant 0 : i32
    %dma_start3A_32 = tpu.memref_slice %arg9[%dma_start3A_28, %dma_start3A_30, %dma_start3A_31] : memref<8x80x64xf32, #tpu.memory_space<vmem>> -> memref<1x80x64xf32, #tpu.memory_space<vmem>>
    %dma_start3A_33 = tpu.memref_squeeze %dma_start3A_32 : memref<1x80x64xf32, #tpu.memory_space<vmem>> -> memref<80x64xf32, #tpu.memory_space<vmem>>
    %dma_start3A_34 = arith.constant 0 : i32
    %dma_start3A_35 = arith.constant 0 : i32
    %dma_start3A_36 = tpu.memref_slice %arg7[%dma_start3A_26, %dma_start3A_34, %dma_start3A_35] : memref<1x250x80xi32, #tpu.memory_space<vmem>> -> memref<1x250x80xi32, #tpu.memory_space<vmem>>
    %dma_start3A_37 = tpu.memref_squeeze %dma_start3A_36 : memref<1x250x80xi32, #tpu.memory_space<vmem>> -> memref<250x80xi32, #tpu.memory_space<vmem>>
    %dma_start3A_38 = arith.constant 0 : i32
    %dma_start3A_39 = tpu.memref_slice %dma_start3A_37[%dma_start3A_27, %dma_start3A_38] : memref<250x80xi32, #tpu.memory_space<vmem>> -> memref<1x80xi32, #tpu.memory_space<vmem>>
    %dma_start3A_40 = tpu.memref_squeeze %dma_start3A_39 : memref<1x80xi32, #tpu.memory_space<vmem>> -> memref<80xi32, #tpu.memory_space<vmem>>
    %dma_start3A_41 = arith.constant 0 : i32
    %dma_start3A_42 = arith.constant 0 : i32
    %dma_start3A_43 = tpu.memref_slice %arg2[%dma_start3A_41, %dma_start3A_42] : memref<20000x64xf32, #tpu.memory_space<hbm>> -> memref<20000x64xf32, #tpu.memory_space<hbm>>
    %dma_start3A_44 = tpu.memref_slice %arg11[%dma_start3A_29] : memref<8x!tpu.dma_semaphore, #tpu.memory_space<semaphore_mem>> -> memref<1x!tpu.dma_semaphore, #tpu.memory_space<semaphore_mem>>
    %dma_start3A_45 = tpu.memref_squeeze %dma_start3A_44 : memref<1x!tpu.dma_semaphore, #tpu.memory_space<semaphore_mem>> -> memref<!tpu.dma_semaphore, #tpu.memory_space<semaphore_mem>>
    tpu.enqueue_indirect_dma source(%dma_start3A_43 : memref<20000x64xf32, #tpu.memory_space<hbm>>) target(%dma_start3A_33 : memref<80x64xf32, #tpu.memory_space<vmem>>) offsets(%dma_start3A_40 : memref<80xi32, #tpu.memory_space<vmem>>) semaphore(%dma_start3A_45 : memref<!tpu.dma_semaphore, #tpu.memory_space<semaphore_mem>>)
    %dma_start3A_46 = arith.constant 0 : i32
    %dma_start3A_47 = arith.constant 2 : i32
    %dma_start3A_48 = arith.constant 2 : i32
    %dma_start3A_49 = arith.constant 2 : i32
    %dma_start3A_50 = arith.constant 0 : i32
    %dma_start3A_51 = arith.constant 0 : i32
    %dma_start3A_52 = tpu.memref_slice %arg9[%dma_start3A_48, %dma_start3A_50, %dma_start3A_51] : memref<8x80x64xf32, #tpu.memory_space<vmem>> -> memref<1x80x64xf32, #tpu.memory_space<vmem>>
    %dma_start3A_53 = tpu.memref_squeeze %dma_start3A_52 : memref<1x80x64xf32, #tpu.memory_space<vmem>> -> memref<80x64xf32, #tpu.memory_space<vmem>>
    %dma_start3A_54 = arith.constant 0 : i32
    %dma_start3A_55 = arith.constant 0 : i32
    %dma_start3A_56 = tpu.memref_slice %arg7[%dma_start3A_46, %dma_start3A_54, %dma_start3A_55] : memref<1x250x80xi32, #tpu.memory_space<vmem>> -> memref<1x250x80xi32, #tpu.memory_space<vmem>>
    %dma_start3A_57 = tpu.memref_squeeze %dma_start3A_56 : memref<1x250x80xi32, #tpu.memory_space<vmem>> -> memref<250x80xi32, #tpu.memory_space<vmem>>
    %dma_start3A_58 = arith.constant 0 : i32
    %dma_start3A_59 = tpu.memref_slice %dma_start3A_57[%dma_start3A_47, %dma_start3A_58] : memref<250x80xi32, #tpu.memory_space<vmem>> -> memref<1x80xi32, #tpu.memory_space<vmem>>
    %dma_start3A_60 = tpu.memref_squeeze %dma_start3A_59 : memref<1x80xi32, #tpu.memory_space<vmem>> -> memref<80xi32, #tpu.memory_space<vmem>>
    %dma_start3A_61 = arith.constant 0 : i32
    %dma_start3A_62 = arith.constant 0 : i32
    %dma_start3A_63 = tpu.memref_slice %arg2[%dma_start3A_61, %dma_start3A_62] : memref<20000x64xf32, #tpu.memory_space<hbm>> -> memref<20000x64xf32, #tpu.memory_space<hbm>>
    %dma_start3A_64 = tpu.memref_slice %arg11[%dma_start3A_49] : memref<8x!tpu.dma_semaphore, #tpu.memory_space<semaphore_mem>> -> memref<1x!tpu.dma_semaphore, #tpu.memory_space<semaphore_mem>>
    %dma_start3A_65 = tpu.memref_squeeze %dma_start3A_64 : memref<1x!tpu.dma_semaphore, #tpu.memory_space<semaphore_mem>> -> memref<!tpu.dma_semaphore, #tpu.memory_space<semaphore_mem>>
    tpu.enqueue_indirect_dma source(%dma_start3A_63 : memref<20000x64xf32, #tpu.memory_space<hbm>>) target(%dma_start3A_53 : memref<80x64xf32, #tpu.memory_space<vmem>>) offsets(%dma_start3A_60 : memref<80xi32, #tpu.memory_space<vmem>>) semaphore(%dma_start3A_65 : memref<!tpu.dma_semaphore, #tpu.memory_space<semaphore_mem>>)
    %dma_start3A_66 = arith.constant 0 : i32
    %dma_start3A_67 = arith.constant 3 : i32
    %dma_start3A_68 = arith.constant 3 : i32
    %dma_start3A_69 = arith.constant 3 : i32
    %dma_start3A_70 = arith.constant 0 : i32
    %dma_start3A_71 = arith.constant 0 : i32
    %dma_start3A_72 = tpu.memref_slice %arg9[%dma_start3A_68, %dma_start3A_70, %dma_start3A_71] : memref<8x80x64xf32, #tpu.memory_space<vmem>> -> memref<1x80x64xf32, #tpu.memory_space<vmem>>
    %dma_start3A_73 = tpu.memref_squeeze %dma_start3A_72 : memref<1x80x64xf32, #tpu.memory_space<vmem>> -> memref<80x64xf32, #tpu.memory_space<vmem>>
    %dma_start3A_74 = arith.constant 0 : i32
    %dma_start3A_75 = arith.constant 0 : i32
    %dma_start3A_76 = tpu.memref_slice %arg7[%dma_start3A_66, %dma_start3A_74, %dma_start3A_75] : memref<1x250x80xi32, #tpu.memory_space<vmem>> -> memref<1x250x80xi32, #tpu.memory_space<vmem>>
    %dma_start3A_77 = tpu.memref_squeeze %dma_start3A_76 : memref<1x250x80xi32, #tpu.memory_space<vmem>> -> memref<250x80xi32, #tpu.memory_space<vmem>>
    %dma_start3A_78 = arith.constant 0 : i32
    %dma_start3A_79 = tpu.memref_slice %dma_start3A_77[%dma_start3A_67, %dma_start3A_78] : memref<250x80xi32, #tpu.memory_space<vmem>> -> memref<1x80xi32, #tpu.memory_space<vmem>>
    %dma_start3A_80 = tpu.memref_squeeze %dma_start3A_79 : memref<1x80xi32, #tpu.memory_space<vmem>> -> memref<80xi32, #tpu.memory_space<vmem>>
    %dma_start3A_81 = arith.constant 0 : i32
    %dma_start3A_82 = arith.constant 0 : i32
    %dma_start3A_83 = tpu.memref_slice %arg2[%dma_start3A_81, %dma_start3A_82] : memref<20000x64xf32, #tpu.memory_space<hbm>> -> memref<20000x64xf32, #tpu.memory_space<hbm>>
    %dma_start3A_84 = tpu.memref_slice %arg11[%dma_start3A_69] : memref<8x!tpu.dma_semaphore, #tpu.memory_space<semaphore_mem>> -> memref<1x!tpu.dma_semaphore, #tpu.memory_space<semaphore_mem>>
    %dma_start3A_85 = tpu.memref_squeeze %dma_start3A_84 : memref<1x!tpu.dma_semaphore, #tpu.memory_space<semaphore_mem>> -> memref<!tpu.dma_semaphore, #tpu.memory_space<semaphore_mem>>
    tpu.enqueue_indirect_dma source(%dma_start3A_83 : memref<20000x64xf32, #tpu.memory_space<hbm>>) target(%dma_start3A_73 : memref<80x64xf32, #tpu.memory_space<vmem>>) offsets(%dma_start3A_80 : memref<80xi32, #tpu.memory_space<vmem>>) semaphore(%dma_start3A_85 : memref<!tpu.dma_semaphore, #tpu.memory_space<semaphore_mem>>)
    %dma_start3A_86 = arith.constant 0 : i32
    %dma_start3A_87 = arith.constant 4 : i32
    %dma_start3A_88 = arith.constant 4 : i32
    %dma_start3A_89 = arith.constant 4 : i32
    %dma_start3A_90 = arith.constant 0 : i32
    %dma_start3A_91 = arith.constant 0 : i32
    %dma_start3A_92 = tpu.memref_slice %arg9[%dma_start3A_88, %dma_start3A_90, %dma_start3A_91] : memref<8x80x64xf32, #tpu.memory_space<vmem>> -> memref<1x80x64xf32, #tpu.memory_space<vmem>>
    %dma_start3A_93 = tpu.memref_squeeze %dma_start3A_92 : memref<1x80x64xf32, #tpu.memory_space<vmem>> -> memref<80x64xf32, #tpu.memory_space<vmem>>
    %dma_start3A_94 = arith.constant 0 : i32
    %dma_start3A_95 = arith.constant 0 : i32
    %dma_start3A_96 = tpu.memref_slice %arg7[%dma_start3A_86, %dma_start3A_94, %dma_start3A_95] : memref<1x250x80xi32, #tpu.memory_space<vmem>> -> memref<1x250x80xi32, #tpu.memory_space<vmem>>
    %dma_start3A_97 = tpu.memref_squeeze %dma_start3A_96 : memref<1x250x80xi32, #tpu.memory_space<vmem>> -> memref<250x80xi32, #tpu.memory_space<vmem>>
    %dma_start3A_98 = arith.constant 0 : i32
    %dma_start3A_99 = tpu.memref_slice %dma_start3A_97[%dma_start3A_87, %dma_start3A_98] : memref<250x80xi32, #tpu.memory_space<vmem>> -> memref<1x80xi32, #tpu.memory_space<vmem>>
    %dma_start3A_100 = tpu.memref_squeeze %dma_start3A_99 : memref<1x80xi32, #tpu.memory_space<vmem>> -> memref<80xi32, #tpu.memory_space<vmem>>
    %dma_start3A_101 = arith.constant 0 : i32
    %dma_start3A_102 = arith.constant 0 : i32
    %dma_start3A_103 = tpu.memref_slice %arg2[%dma_start3A_101, %dma_start3A_102] : memref<20000x64xf32, #tpu.memory_space<hbm>> -> memref<20000x64xf32, #tpu.memory_space<hbm>>
    %dma_start3A_104 = tpu.memref_slice %arg11[%dma_start3A_89] : memref<8x!tpu.dma_semaphore, #tpu.memory_space<semaphore_mem>> -> memref<1x!tpu.dma_semaphore, #tpu.memory_space<semaphore_mem>>
    %dma_start3A_105 = tpu.memref_squeeze %dma_start3A_104 : memref<1x!tpu.dma_semaphore, #tpu.memory_space<semaphore_mem>> -> memref<!tpu.dma_semaphore, #tpu.memory_space<semaphore_mem>>
    tpu.enqueue_indirect_dma source(%dma_start3A_103 : memref<20000x64xf32, #tpu.memory_space<hbm>>) target(%dma_start3A_93 : memref<80x64xf32, #tpu.memory_space<vmem>>) offsets(%dma_start3A_100 : memref<80xi32, #tpu.memory_space<vmem>>) semaphore(%dma_start3A_105 : memref<!tpu.dma_semaphore, #tpu.memory_space<semaphore_mem>>)
    %dma_start3A_106 = arith.constant 0 : i32
    %dma_start3A_107 = arith.constant 5 : i32
    %dma_start3A_108 = arith.constant 5 : i32
    %dma_start3A_109 = arith.constant 5 : i32
    %dma_start3A_110 = arith.constant 0 : i32
    %dma_start3A_111 = arith.constant 0 : i32
    %dma_start3A_112 = tpu.memref_slice %arg9[%dma_start3A_108, %dma_start3A_110, %dma_start3A_111] : memref<8x80x64xf32, #tpu.memory_space<vmem>> -> memref<1x80x64xf32, #tpu.memory_space<vmem>>
    %dma_start3A_113 = tpu.memref_squeeze %dma_start3A_112 : memref<1x80x64xf32, #tpu.memory_space<vmem>> -> memref<80x64xf32, #tpu.memory_space<vmem>>
    %dma_start3A_114 = arith.constant 0 : i32
    %dma_start3A_115 = arith.constant 0 : i32
    %dma_start3A_116 = tpu.memref_slice %arg7[%dma_start3A_106, %dma_start3A_114, %dma_start3A_115] : memref<1x250x80xi32, #tpu.memory_space<vmem>> -> memref<1x250x80xi32, #tpu.memory_space<vmem>>
    %dma_start3A_117 = tpu.memref_squeeze %dma_start3A_116 : memref<1x250x80xi32, #tpu.memory_space<vmem>> -> memref<250x80xi32, #tpu.memory_space<vmem>>
    %dma_start3A_118 = arith.constant 0 : i32
    %dma_start3A_119 = tpu.memref_slice %dma_start3A_117[%dma_start3A_107, %dma_start3A_118] : memref<250x80xi32, #tpu.memory_space<vmem>> -> memref<1x80xi32, #tpu.memory_space<vmem>>
    %dma_start3A_120 = tpu.memref_squeeze %dma_start3A_119 : memref<1x80xi32, #tpu.memory_space<vmem>> -> memref<80xi32, #tpu.memory_space<vmem>>
    %dma_start3A_121 = arith.constant 0 : i32
    %dma_start3A_122 = arith.constant 0 : i32
    %dma_start3A_123 = tpu.memref_slice %arg2[%dma_start3A_121, %dma_start3A_122] : memref<20000x64xf32, #tpu.memory_space<hbm>> -> memref<20000x64xf32, #tpu.memory_space<hbm>>
    %dma_start3A_124 = tpu.memref_slice %arg11[%dma_start3A_109] : memref<8x!tpu.dma_semaphore, #tpu.memory_space<semaphore_mem>> -> memref<1x!tpu.dma_semaphore, #tpu.memory_space<semaphore_mem>>
    %dma_start3A_125 = tpu.memref_squeeze %dma_start3A_124 : memref<1x!tpu.dma_semaphore, #tpu.memory_space<semaphore_mem>> -> memref<!tpu.dma_semaphore, #tpu.memory_space<semaphore_mem>>
    tpu.enqueue_indirect_dma source(%dma_start3A_123 : memref<20000x64xf32, #tpu.memory_space<hbm>>) target(%dma_start3A_113 : memref<80x64xf32, #tpu.memory_space<vmem>>) offsets(%dma_start3A_120 : memref<80xi32, #tpu.memory_space<vmem>>) semaphore(%dma_start3A_125 : memref<!tpu.dma_semaphore, #tpu.memory_space<semaphore_mem>>)
    %dma_start3A_126 = arith.constant 0 : i32
    %dma_start3A_127 = arith.constant 6 : i32
    %dma_start3A_128 = arith.constant 6 : i32
    %dma_start3A_129 = arith.constant 6 : i32
    %dma_start3A_130 = arith.constant 0 : i32
    %dma_start3A_131 = arith.constant 0 : i32
    %dma_start3A_132 = tpu.memref_slice %arg9[%dma_start3A_128, %dma_start3A_130, %dma_start3A_131] : memref<8x80x64xf32, #tpu.memory_space<vmem>> -> memref<1x80x64xf32, #tpu.memory_space<vmem>>
    %dma_start3A_133 = tpu.memref_squeeze %dma_start3A_132 : memref<1x80x64xf32, #tpu.memory_space<vmem>> -> memref<80x64xf32, #tpu.memory_space<vmem>>
    %dma_start3A_134 = arith.constant 0 : i32
    %dma_start3A_135 = arith.constant 0 : i32
    %dma_start3A_136 = tpu.memref_slice %arg7[%dma_start3A_126, %dma_start3A_134, %dma_start3A_135] : memref<1x250x80xi32, #tpu.memory_space<vmem>> -> memref<1x250x80xi32, #tpu.memory_space<vmem>>
    %dma_start3A_137 = tpu.memref_squeeze %dma_start3A_136 : memref<1x250x80xi32, #tpu.memory_space<vmem>> -> memref<250x80xi32, #tpu.memory_space<vmem>>
    %dma_start3A_138 = arith.constant 0 : i32
    %dma_start3A_139 = tpu.memref_slice %dma_start3A_137[%dma_start3A_127, %dma_start3A_138] : memref<250x80xi32, #tpu.memory_space<vmem>> -> memref<1x80xi32, #tpu.memory_space<vmem>>
    %dma_start3A_140 = tpu.memref_squeeze %dma_start3A_139 : memref<1x80xi32, #tpu.memory_space<vmem>> -> memref<80xi32, #tpu.memory_space<vmem>>
    %dma_start3A_141 = arith.constant 0 : i32
    %dma_start3A_142 = arith.constant 0 : i32
    %dma_start3A_143 = tpu.memref_slice %arg2[%dma_start3A_141, %dma_start3A_142] : memref<20000x64xf32, #tpu.memory_space<hbm>> -> memref<20000x64xf32, #tpu.memory_space<hbm>>
    %dma_start3A_144 = tpu.memref_slice %arg11[%dma_start3A_129] : memref<8x!tpu.dma_semaphore, #tpu.memory_space<semaphore_mem>> -> memref<1x!tpu.dma_semaphore, #tpu.memory_space<semaphore_mem>>
    %dma_start3A_145 = tpu.memref_squeeze %dma_start3A_144 : memref<1x!tpu.dma_semaphore, #tpu.memory_space<semaphore_mem>> -> memref<!tpu.dma_semaphore, #tpu.memory_space<semaphore_mem>>
    tpu.enqueue_indirect_dma source(%dma_start3A_143 : memref<20000x64xf32, #tpu.memory_space<hbm>>) target(%dma_start3A_133 : memref<80x64xf32, #tpu.memory_space<vmem>>) offsets(%dma_start3A_140 : memref<80xi32, #tpu.memory_space<vmem>>) semaphore(%dma_start3A_145 : memref<!tpu.dma_semaphore, #tpu.memory_space<semaphore_mem>>)
    %scan3A = arith.constant 0 : i32
    %scan3A_146 = arith.constant 0 : i32
    %scan3A_147 = arith.constant 0 : i32
    %scan3A_148 = arith.constant 250 : i32
    %scan3A_149 = arith.addi %scan3A_147, %scan3A_148 : i32
    %scan3A_150 = arith.constant 1 : i32
    scf.for %scan3A_182 = %scan3A_147 to %scan3A_149 step %scan3A_150  : i32 {
      %rem3A_183 = arith.constant 8 : i32
      %rem3A_184 = arith.remsi %scan3A_182, %rem3A_183 : i32
      %dma_wait3A_185 = arith.constant 0 : i32
      %dma_wait3A_186 = arith.constant 0 : i32
      %dma_wait3A_187 = tpu.memref_slice %arg9[%rem3A_184, %dma_wait3A_185, %dma_wait3A_186] : memref<8x80x64xf32, #tpu.memory_space<vmem>> -> memref<1x80x64xf32, #tpu.memory_space<vmem>>
      %dma_wait3A_188 = tpu.memref_squeeze %dma_wait3A_187 : memref<1x80x64xf32, #tpu.memory_space<vmem>> -> memref<80x64xf32, #tpu.memory_space<vmem>>
      %dma_wait3A_189 = arith.constant 0 : i32
      %dma_wait3A_190 = arith.constant 0 : i32
      %dma_wait3A_191 = tpu.memref_slice %arg7[%scan3A_146, %dma_wait3A_189, %dma_wait3A_190] : memref<1x250x80xi32, #tpu.memory_space<vmem>> -> memref<1x250x80xi32, #tpu.memory_space<vmem>>
      %dma_wait3A_192 = tpu.memref_squeeze %dma_wait3A_191 : memref<1x250x80xi32, #tpu.memory_space<vmem>> -> memref<250x80xi32, #tpu.memory_space<vmem>>
      %dma_wait3A_193 = arith.constant 0 : i32
      %dma_wait3A_194 = tpu.memref_slice %dma_wait3A_192[%scan3A_182, %dma_wait3A_193] : memref<250x80xi32, #tpu.memory_space<vmem>> -> memref<1x80xi32, #tpu.memory_space<vmem>>
      %dma_wait3A_195 = tpu.memref_squeeze %dma_wait3A_194 : memref<1x80xi32, #tpu.memory_space<vmem>> -> memref<80xi32, #tpu.memory_space<vmem>>
      %dma_wait3A_196 = arith.constant 0 : i32
      %dma_wait3A_197 = arith.constant 0 : i32
      %dma_wait3A_198 = tpu.memref_slice %arg2[%dma_wait3A_196, %dma_wait3A_197] : memref<20000x64xf32, #tpu.memory_space<hbm>> -> memref<20000x64xf32, #tpu.memory_space<hbm>>
      %dma_wait3A_199 = tpu.memref_slice %arg11[%rem3A_184] : memref<8x!tpu.dma_semaphore, #tpu.memory_space<semaphore_mem>> -> memref<1x!tpu.dma_semaphore, #tpu.memory_space<semaphore_mem>>
      %dma_wait3A_200 = tpu.memref_squeeze %dma_wait3A_199 : memref<1x!tpu.dma_semaphore, #tpu.memory_space<semaphore_mem>> -> memref<!tpu.dma_semaphore, #tpu.memory_space<semaphore_mem>>
      tpu.wait_indirect_dma semaphore(%dma_wait3A_200 : memref<!tpu.dma_semaphore, #tpu.memory_space<semaphore_mem>>) src(%dma_wait3A_198 : memref<20000x64xf32, #tpu.memory_space<hbm>>) dst(%dma_wait3A_188 : memref<80x64xf32, #tpu.memory_space<vmem>>)
      %dma_start3A_201 = arith.constant 0 : i32
      %dma_start3A_202 = arith.constant 0 : i32
      %dma_start3A_203 = tpu.memref_slice %arg9[%rem3A_184, %dma_start3A_201, %dma_start3A_202] : memref<8x80x64xf32, #tpu.memory_space<vmem>> -> memref<1x80x64xf32, #tpu.memory_space<vmem>>
      %dma_start3A_204 = tpu.memref_squeeze %dma_start3A_203 : memref<1x80x64xf32, #tpu.memory_space<vmem>> -> memref<80x64xf32, #tpu.memory_space<vmem>>
      %dma_start3A_205 = arith.constant 0 : i32
      %dma_start3A_206 = tpu.memref_slice %arg8[%scan3A_182, %dma_start3A_205] : memref<250x80xi32, #tpu.memory_space<vmem>> -> memref<1x80xi32, #tpu.memory_space<vmem>>
      %dma_start3A_207 = tpu.memref_squeeze %dma_start3A_206 : memref<1x80xi32, #tpu.memory_space<vmem>> -> memref<80xi32, #tpu.memory_space<vmem>>
      %dma_start3A_208 = arith.constant 0 : i32
      %dma_start3A_209 = arith.constant 0 : i32
      %dma_start3A_210 = tpu.memref_slice %arg10[%dma_start3A_208, %dma_start3A_209] : memref<10000x64xf32, #tpu.memory_space<vmem_shared>> -> memref<10000x64xf32, #tpu.memory_space<vmem_shared>>
      %dma_start3A_211 = tpu.memref_slice %arg12[%rem3A_184] : memref<8x!tpu.dma_semaphore, #tpu.memory_space<semaphore_mem>> -> memref<1x!tpu.dma_semaphore, #tpu.memory_space<semaphore_mem>>
      %dma_start3A_212 = tpu.memref_squeeze %dma_start3A_211 : memref<1x!tpu.dma_semaphore, #tpu.memory_space<semaphore_mem>> -> memref<!tpu.dma_semaphore, #tpu.memory_space<semaphore_mem>>
      tpu.enqueue_indirect_dma source(%dma_start3A_204 : memref<80x64xf32, #tpu.memory_space<vmem>>) target(%dma_start3A_210 : memref<10000x64xf32, #tpu.memory_space<vmem_shared>>) offsets(%dma_start3A_207 : memref<80xi32, #tpu.memory_space<vmem>>) semaphore(%dma_start3A_212 : memref<!tpu.dma_semaphore, #tpu.memory_space<semaphore_mem>>) {add = true}
      %add3A_213 = arith.constant 8 : i32
      %add3A_214 = arith.addi %scan3A_182, %add3A_213 : i32
      %sub3A = arith.constant 1 : i32
      %sub3A_215 = arith.subi %add3A_214, %sub3A : i32
      %rem3A_216 = arith.constant 8 : i32
      %rem3A_217 = arith.remsi %sub3A_215, %rem3A_216 : i32
      %ge3A = arith.constant 1 : i32
      %ge3A_218 = arith.cmpi sge, %scan3A_182, %ge3A : i32
      %convert_element_type3A_219 = arith.extui %ge3A_218 : i1 to i32
      %cond3A_220 = arith.constant 0 : i32
      %cond3A_221 = arith.cmpi ne, %convert_element_type3A_219, %cond3A_220 : i32
      scf.if %cond3A_221 {
        %sub3A_231 = arith.constant 1 : i32
        %sub3A_232 = arith.subi %scan3A_182, %sub3A_231 : i32
        %dma_wait3A_233 = arith.constant 0 : i32
        %dma_wait3A_234 = arith.constant 0 : i32
        %dma_wait3A_235 = tpu.memref_slice %arg9[%rem3A_217, %dma_wait3A_233, %dma_wait3A_234] : memref<8x80x64xf32, #tpu.memory_space<vmem>> -> memref<1x80x64xf32, #tpu.memory_space<vmem>>
        %dma_wait3A_236 = tpu.memref_squeeze %dma_wait3A_235 : memref<1x80x64xf32, #tpu.memory_space<vmem>> -> memref<80x64xf32, #tpu.memory_space<vmem>>
        %dma_wait3A_237 = arith.constant 0 : i32
        %dma_wait3A_238 = tpu.memref_slice %arg8[%sub3A_232, %dma_wait3A_237] : memref<250x80xi32, #tpu.memory_space<vmem>> -> memref<1x80xi32, #tpu.memory_space<vmem>>
        %dma_wait3A_239 = tpu.memref_squeeze %dma_wait3A_238 : memref<1x80xi32, #tpu.memory_space<vmem>> -> memref<80xi32, #tpu.memory_space<vmem>>
        %dma_wait3A_240 = arith.constant 0 : i32
        %dma_wait3A_241 = arith.constant 0 : i32
        %dma_wait3A_242 = tpu.memref_slice %arg10[%dma_wait3A_240, %dma_wait3A_241] : memref<10000x64xf32, #tpu.memory_space<vmem_shared>> -> memref<10000x64xf32, #tpu.memory_space<vmem_shared>>
        %dma_wait3A_243 = tpu.memref_slice %arg12[%rem3A_217] : memref<8x!tpu.dma_semaphore, #tpu.memory_space<semaphore_mem>> -> memref<1x!tpu.dma_semaphore, #tpu.memory_space<semaphore_mem>>
        %dma_wait3A_244 = tpu.memref_squeeze %dma_wait3A_243 : memref<1x!tpu.dma_semaphore, #tpu.memory_space<semaphore_mem>> -> memref<!tpu.dma_semaphore, #tpu.memory_space<semaphore_mem>>
        tpu.wait_indirect_dma semaphore(%dma_wait3A_244 : memref<!tpu.dma_semaphore, #tpu.memory_space<semaphore_mem>>) src(%dma_wait3A_236 : memref<80x64xf32, #tpu.memory_space<vmem>>) dst(%dma_wait3A_242 : memref<10000x64xf32, #tpu.memory_space<vmem_shared>>)
      } else {
      }
      %add3A_222 = arith.constant 8 : i32
      %add3A_223 = arith.addi %scan3A_182, %add3A_222 : i32
      %sub3A_224 = arith.constant 1 : i32
      %sub3A_225 = arith.subi %add3A_223, %sub3A_224 : i32
      %lt3A_226 = arith.constant 250 : i32
      %lt3A_227 = arith.cmpi slt, %sub3A_225, %lt3A_226 : i32
      %convert_element_type3A_228 = arith.extui %lt3A_227 : i1 to i32
      %cond3A_229 = arith.constant 0 : i32
      %cond3A_230 = arith.cmpi ne, %convert_element_type3A_228, %cond3A_229 : i32
      scf.if %cond3A_230 {
        %add3A_231 = arith.constant 8 : i32
        %add3A_232 = arith.addi %scan3A_182, %add3A_231 : i32
        %sub3A_233 = arith.constant 1 : i32
        %sub3A_234 = arith.subi %add3A_232, %sub3A_233 : i32
        %dma_start3A_235 = arith.constant 0 : i32
        %dma_start3A_236 = arith.constant 0 : i32
        %dma_start3A_237 = tpu.memref_slice %arg9[%rem3A_217, %dma_start3A_235, %dma_start3A_236] : memref<8x80x64xf32, #tpu.memory_space<vmem>> -> memref<1x80x64xf32, #tpu.memory_space<vmem>>
        %dma_start3A_238 = tpu.memref_squeeze %dma_start3A_237 : memref<1x80x64xf32, #tpu.memory_space<vmem>> -> memref<80x64xf32, #tpu.memory_space<vmem>>
        %dma_start3A_239 = arith.constant 0 : i32
        %dma_start3A_240 = arith.constant 0 : i32
        %dma_start3A_241 = tpu.memref_slice %arg7[%scan3A_146, %dma_start3A_239, %dma_start3A_240] : memref<1x250x80xi32, #tpu.memory_space<vmem>> -> memref<1x250x80xi32, #tpu.memory_space<vmem>>
        %dma_start3A_242 = tpu.memref_squeeze %dma_start3A_241 : memref<1x250x80xi32, #tpu.memory_space<vmem>> -> memref<250x80xi32, #tpu.memory_space<vmem>>
        %dma_start3A_243 = arith.constant 0 : i32
        %dma_start3A_244 = tpu.memref_slice %dma_start3A_242[%sub3A_234, %dma_start3A_243] : memref<250x80xi32, #tpu.memory_space<vmem>> -> memref<1x80xi32, #tpu.memory_space<vmem>>
        %dma_start3A_245 = tpu.memref_squeeze %dma_start3A_244 : memref<1x80xi32, #tpu.memory_space<vmem>> -> memref<80xi32, #tpu.memory_space<vmem>>
        %dma_start3A_246 = arith.constant 0 : i32
        %dma_start3A_247 = arith.constant 0 : i32
        %dma_start3A_248 = tpu.memref_slice %arg2[%dma_start3A_246, %dma_start3A_247] : memref<20000x64xf32, #tpu.memory_space<hbm>> -> memref<20000x64xf32, #tpu.memory_space<hbm>>
        %dma_start3A_249 = tpu.memref_slice %arg11[%rem3A_217] : memref<8x!tpu.dma_semaphore, #tpu.memory_space<semaphore_mem>> -> memref<1x!tpu.dma_semaphore, #tpu.memory_space<semaphore_mem>>
        %dma_start3A_250 = tpu.memref_squeeze %dma_start3A_249 : memref<1x!tpu.dma_semaphore, #tpu.memory_space<semaphore_mem>> -> memref<!tpu.dma_semaphore, #tpu.memory_space<semaphore_mem>>
        tpu.enqueue_indirect_dma source(%dma_start3A_248 : memref<20000x64xf32, #tpu.memory_space<hbm>>) target(%dma_start3A_238 : memref<80x64xf32, #tpu.memory_space<vmem>>) offsets(%dma_start3A_245 : memref<80xi32, #tpu.memory_space<vmem>>) semaphore(%dma_start3A_250 : memref<!tpu.dma_semaphore, #tpu.memory_space<semaphore_mem>>)
      } else {
      }
    }
    %scan3A_151 = arith.constant 250 : i32
    %rem3A = arith.constant 249 : i32
    %rem3A_152 = arith.constant 8 : i32
    %rem3A_153 = arith.remsi %rem3A, %rem3A_152 : i32
    %dma_wait3A = arith.constant 249 : i32
    %dma_wait3A_154 = arith.constant 0 : i32
    %dma_wait3A_155 = arith.constant 0 : i32
    %dma_wait3A_156 = tpu.memref_slice %arg9[%rem3A_153, %dma_wait3A_154, %dma_wait3A_155] : memref<8x80x64xf32, #tpu.memory_space<vmem>> -> memref<1x80x64xf32, #tpu.memory_space<vmem>>
    %dma_wait3A_157 = tpu.memref_squeeze %dma_wait3A_156 : memref<1x80x64xf32, #tpu.memory_space<vmem>> -> memref<80x64xf32, #tpu.memory_space<vmem>>
    %dma_wait3A_158 = arith.constant 0 : i32
    %dma_wait3A_159 = tpu.memref_slice %arg8[%dma_wait3A, %dma_wait3A_158] : memref<250x80xi32, #tpu.memory_space<vmem>> -> memref<1x80xi32, #tpu.memory_space<vmem>>
    %dma_wait3A_160 = tpu.memref_squeeze %dma_wait3A_159 : memref<1x80xi32, #tpu.memory_space<vmem>> -> memref<80xi32, #tpu.memory_space<vmem>>
    %dma_wait3A_161 = arith.constant 0 : i32
    %dma_wait3A_162 = arith.constant 0 : i32
    %dma_wait3A_163 = tpu.memref_slice %arg10[%dma_wait3A_161, %dma_wait3A_162] : memref<10000x64xf32, #tpu.memory_space<vmem_shared>> -> memref<10000x64xf32, #tpu.memory_space<vmem_shared>>
    %dma_wait3A_164 = tpu.memref_slice %arg12[%rem3A_153] : memref<8x!tpu.dma_semaphore, #tpu.memory_space<semaphore_mem>> -> memref<1x!tpu.dma_semaphore, #tpu.memory_space<semaphore_mem>>
    %dma_wait3A_165 = tpu.memref_squeeze %dma_wait3A_164 : memref<1x!tpu.dma_semaphore, #tpu.memory_space<semaphore_mem>> -> memref<!tpu.dma_semaphore, #tpu.memory_space<semaphore_mem>>
    tpu.wait_indirect_dma semaphore(%dma_wait3A_165 : memref<!tpu.dma_semaphore, #tpu.memory_space<semaphore_mem>>) src(%dma_wait3A_157 : memref<80x64xf32, #tpu.memory_space<vmem>>) dst(%dma_wait3A_163 : memref<10000x64xf32, #tpu.memory_space<vmem_shared>>)
    %barrier3A_166 = arith.constant 0 : index
    tpu.barrier barrier_id(%barrier3A_166)
    %mul3A_167 = arith.constant 1 : i32
    %mul3A_168 = arith.muli %arg0, %mul3A_167 : i32
    %add3A_169 = arith.constant 0 : i32
    %add3A_170 = arith.addi %mul3A_168, %add3A_169 : i32
    %lt3A_171 = arith.constant 15 : i32
    %lt3A_172 = arith.cmpi slt, %arg1, %lt3A_171 : i32
    %convert_element_type3A_173 = arith.extui %lt3A_172 : i1 to i32
    %cond3A_174 = arith.constant 0 : i32
    %cond3A_175 = arith.cmpi ne, %convert_element_type3A_173, %cond3A_174 : i32
    scf.if %cond3A_175 {
      %mul3A_182 = arith.constant 624 : i32
      %mul3A_183 = arith.muli %arg1, %mul3A_182 : i32
      %mul3A_184 = arith.constant 624 : i32
      %mul3A_185 = arith.muli %arg1, %mul3A_184 : i32
      "tpu.region"() ({
        %run_scoped3A = tpu.sem_alloc : memref<!tpu.dma_semaphore, #tpu.memory_space<semaphore_mem>>
        %dma_start3A_186 = arith.constant 0 : i32
        %dma_start3A_187 = arith.constant 0 : i32
        %dma_start3A_188 = tpu.memref_slice %arg6[%add3A_170, %dma_start3A_186, %dma_start3A_187] : memref<2x10000x64xf32, #tpu.memory_space<hbm>> -> memref<1x10000x64xf32, #tpu.memory_space<hbm>>
        %dma_start3A_189 = tpu.memref_squeeze %dma_start3A_188 : memref<1x10000x64xf32, #tpu.memory_space<hbm>> -> memref<10000x64xf32, #tpu.memory_space<hbm>>
        %dma_start3A_190 = arith.constant 0 : i32
        %dma_start3A_191 = tpu.memref_slice %dma_start3A_189[%mul3A_185, %dma_start3A_190] : memref<10000x64xf32, #tpu.memory_space<hbm>> -> memref<624x64xf32, #tpu.memory_space<hbm>>
        %dma_start3A_192 = arith.constant 0 : i32
        %dma_start3A_193 = tpu.memref_slice %arg10[%mul3A_183, %dma_start3A_192] : memref<10000x64xf32, #tpu.memory_space<vmem_shared>> -> memref<624x64xf32, #tpu.memory_space<vmem_shared>>
        tpu.enqueue_dma source(%dma_start3A_193 : memref<624x64xf32, #tpu.memory_space<vmem_shared>>) target(%dma_start3A_191 : memref<624x64xf32, #tpu.memory_space<hbm>>) target_semaphore(%run_scoped3A : memref<!tpu.dma_semaphore, #tpu.memory_space<semaphore_mem>>)
        %dma_wait3A_194 = arith.constant 0 : i32
        %dma_wait3A_195 = arith.constant 0 : i32
        %dma_wait3A_196 = tpu.memref_slice %arg6[%add3A_170, %dma_wait3A_194, %dma_wait3A_195] : memref<2x10000x64xf32, #tpu.memory_space<hbm>> -> memref<1x10000x64xf32, #tpu.memory_space<hbm>>
        %dma_wait3A_197 = tpu.memref_squeeze %dma_wait3A_196 : memref<1x10000x64xf32, #tpu.memory_space<hbm>> -> memref<10000x64xf32, #tpu.memory_space<hbm>>
        %dma_wait3A_198 = arith.constant 0 : i32
        %dma_wait3A_199 = tpu.memref_slice %dma_wait3A_197[%mul3A_185, %dma_wait3A_198] : memref<10000x64xf32, #tpu.memory_space<hbm>> -> memref<624x64xf32, #tpu.memory_space<hbm>>
        %dma_wait3A_200 = arith.constant 0 : i32
        %dma_wait3A_201 = tpu.memref_slice %arg10[%mul3A_183, %dma_wait3A_200] : memref<10000x64xf32, #tpu.memory_space<vmem_shared>> -> memref<624x64xf32, #tpu.memory_space<vmem_shared>>
        tpu.wait_dma2 semaphore(%run_scoped3A : memref<!tpu.dma_semaphore, #tpu.memory_space<semaphore_mem>>) src(%dma_wait3A_201 : memref<624x64xf32, #tpu.memory_space<vmem_shared>>) dst(%dma_wait3A_199 : memref<624x64xf32, #tpu.memory_space<hbm>>)
        tpu.yield
      }) : () -> ()
    } else {
    }
    %eq3A_176 = arith.constant 15 : i32
    %eq3A_177 = arith.cmpi eq, %arg1, %eq3A_176 : i32
    %convert_element_type3A_178 = arith.extui %eq3A_177 : i1 to i32
    %cond3A_179 = arith.constant 0 : i32
    %cond3A_180 = arith.cmpi ne, %convert_element_type3A_178, %cond3A_179 : i32
    scf.if %cond3A_180 {
      "tpu.region"() ({
        %run_scoped3A = tpu.sem_alloc : memref<!tpu.dma_semaphore, #tpu.memory_space<semaphore_mem>>
        %dma_start3A_182 = arith.constant 0 : i32
        %dma_start3A_183 = arith.constant 0 : i32
        %dma_start3A_184 = tpu.memref_slice %arg6[%add3A_170, %dma_start3A_182, %dma_start3A_183] : memref<2x10000x64xf32, #tpu.memory_space<hbm>> -> memref<1x10000x64xf32, #tpu.memory_space<hbm>>
        %dma_start3A_185 = tpu.memref_squeeze %dma_start3A_184 : memref<1x10000x64xf32, #tpu.memory_space<hbm>> -> memref<10000x64xf32, #tpu.memory_space<hbm>>
        %dma_start3A_186 = arith.constant 9360 : i32
        %dma_start3A_187 = arith.constant 0 : i32
        %dma_start3A_188 = tpu.memref_slice %dma_start3A_185[%dma_start3A_186, %dma_start3A_187] : memref<10000x64xf32, #tpu.memory_space<hbm>> -> memref<640x64xf32, #tpu.memory_space<hbm>>
        %dma_start3A_189 = arith.constant 9360 : i32
        %dma_start3A_190 = arith.constant 0 : i32
        %dma_start3A_191 = tpu.memref_slice %arg10[%dma_start3A_189, %dma_start3A_190] : memref<10000x64xf32, #tpu.memory_space<vmem_shared>> -> memref<640x64xf32, #tpu.memory_space<vmem_shared>>
        tpu.enqueue_dma source(%dma_start3A_191 : memref<640x64xf32, #tpu.memory_space<vmem_shared>>) target(%dma_start3A_188 : memref<640x64xf32, #tpu.memory_space<hbm>>) target_semaphore(%run_scoped3A : memref<!tpu.dma_semaphore, #tpu.memory_space<semaphore_mem>>)
        %dma_wait3A_192 = arith.constant 0 : i32
        %dma_wait3A_193 = arith.constant 0 : i32
        %dma_wait3A_194 = tpu.memref_slice %arg6[%add3A_170, %dma_wait3A_192, %dma_wait3A_193] : memref<2x10000x64xf32, #tpu.memory_space<hbm>> -> memref<1x10000x64xf32, #tpu.memory_space<hbm>>
        %dma_wait3A_195 = tpu.memref_squeeze %dma_wait3A_194 : memref<1x10000x64xf32, #tpu.memory_space<hbm>> -> memref<10000x64xf32, #tpu.memory_space<hbm>>
        %dma_wait3A_196 = arith.constant 9360 : i32
        %dma_wait3A_197 = arith.constant 0 : i32
        %dma_wait3A_198 = tpu.memref_slice %dma_wait3A_195[%dma_wait3A_196, %dma_wait3A_197] : memref<10000x64xf32, #tpu.memory_space<hbm>> -> memref<640x64xf32, #tpu.memory_space<hbm>>
        %dma_wait3A_199 = arith.constant 9360 : i32
        %dma_wait3A_200 = arith.constant 0 : i32
        %dma_wait3A_201 = tpu.memref_slice %arg10[%dma_wait3A_199, %dma_wait3A_200] : memref<10000x64xf32, #tpu.memory_space<vmem_shared>> -> memref<640x64xf32, #tpu.memory_space<vmem_shared>>
        tpu.wait_dma2 semaphore(%run_scoped3A : memref<!tpu.dma_semaphore, #tpu.memory_space<semaphore_mem>>) src(%dma_wait3A_201 : memref<640x64xf32, #tpu.memory_space<vmem_shared>>) dst(%dma_wait3A_198 : memref<640x64xf32, #tpu.memory_space<hbm>>)
        tpu.yield
      }) : () -> ()
    } else {
    }
    %barrier3A_181 = arith.constant 0 : index
    tpu.barrier barrier_id(%barrier3A_181)
    return
  }
}

#map = affine_map<(d0, d1) -> (0, 0, 0)>
#map1 = affine_map<(d0, d1) -> (0)>
#map2 = affine_map<(d0, d1) -> (0, 0)>
module attributes {stable_mosaic.version = 14 : i64} {
  func.func @deg_kernel(%arg0: i32, %arg1: i32, %arg2: memref<32x125x80xi32, #tpu.memory_space<hbm>>, %arg3: memref<10000xf32, #tpu.memory_space<hbm>>, %arg4: memref<2x10000xf32, #tpu.memory_space<hbm>>, %arg5: memref<125x80xi32, #tpu.memory_space<vmem>>, %arg6: memref<80xf32, #tpu.memory_space<vmem>>, %arg7: memref<10000xf32, #tpu.memory_space<vmem_shared>>) attributes {dimension_semantics = [#tpu.dimension_semantics<core_parallel>, #tpu.dimension_semantics<subcore_parallel>], iteration_bounds = array<i64: 2, 16>, scalar_prefetch = 0 : i64, scratch_operands = 3 : i64, tpu.core_type = #tpu.core_type<sc_vector_subcore>, window_params = [{transform_indices = #map}, {transform_indices = #map1}, {transform_indices = #map2}]} {
    %mul3A = arith.constant 16 : i32
    %mul3A_0 = arith.muli %arg0, %mul3A : i32
    %add3A = arith.addi %mul3A_0, %arg1 : i32
    %broadcast_in_dim3A = arith.constant 1.000000e+00 : f32
    %broadcast_in_dim3A_1 = vector.broadcast %broadcast_in_dim3A : f32 to vector<16xf32>
    %swap3A = arith.constant 0 : index
    %swap3A_2 = tpu.vector_load %arg6[%swap3A] {strides = array<i32>} : memref<80xf32, #tpu.memory_space<vmem>>, vector<16xf32>,
    %swap3A_3 = vector.shape_cast %swap3A_2 : vector<16xf32> to vector<16xf32>
    %swap3A_4 = vector.shape_cast %broadcast_in_dim3A_1 : vector<16xf32> to vector<16xf32>
    tpu.vector_store %arg6[%swap3A], %swap3A_4 {strides = array<i32>} : memref<80xf32, #tpu.memory_space<vmem>>, vector<16xf32>,
    %broadcast_in_dim3A_5 = arith.constant 1.000000e+00 : f32
    %broadcast_in_dim3A_6 = vector.broadcast %broadcast_in_dim3A_5 : f32 to vector<16xf32>
    %swap3A_7 = arith.constant 16 : index
    %swap3A_8 = tpu.vector_load %arg6[%swap3A_7] {strides = array<i32>} : memref<80xf32, #tpu.memory_space<vmem>>, vector<16xf32>,
    %swap3A_9 = vector.shape_cast %swap3A_8 : vector<16xf32> to vector<16xf32>
    %swap3A_10 = vector.shape_cast %broadcast_in_dim3A_6 : vector<16xf32> to vector<16xf32>
    tpu.vector_store %arg6[%swap3A_7], %swap3A_10 {strides = array<i32>} : memref<80xf32, #tpu.memory_space<vmem>>, vector<16xf32>,
    %broadcast_in_dim3A_11 = arith.constant 1.000000e+00 : f32
    %broadcast_in_dim3A_12 = vector.broadcast %broadcast_in_dim3A_11 : f32 to vector<16xf32>
    %swap3A_13 = arith.constant 32 : index
    %swap3A_14 = tpu.vector_load %arg6[%swap3A_13] {strides = array<i32>} : memref<80xf32, #tpu.memory_space<vmem>>, vector<16xf32>,
    %swap3A_15 = vector.shape_cast %swap3A_14 : vector<16xf32> to vector<16xf32>
    %swap3A_16 = vector.shape_cast %broadcast_in_dim3A_12 : vector<16xf32> to vector<16xf32>
    tpu.vector_store %arg6[%swap3A_13], %swap3A_16 {strides = array<i32>} : memref<80xf32, #tpu.memory_space<vmem>>, vector<16xf32>,
    %broadcast_in_dim3A_17 = arith.constant 1.000000e+00 : f32
    %broadcast_in_dim3A_18 = vector.broadcast %broadcast_in_dim3A_17 : f32 to vector<16xf32>
    %swap3A_19 = arith.constant 48 : index
    %swap3A_20 = tpu.vector_load %arg6[%swap3A_19] {strides = array<i32>} : memref<80xf32, #tpu.memory_space<vmem>>, vector<16xf32>,
    %swap3A_21 = vector.shape_cast %swap3A_20 : vector<16xf32> to vector<16xf32>
    %swap3A_22 = vector.shape_cast %broadcast_in_dim3A_18 : vector<16xf32> to vector<16xf32>
    tpu.vector_store %arg6[%swap3A_19], %swap3A_22 {strides = array<i32>} : memref<80xf32, #tpu.memory_space<vmem>>, vector<16xf32>,
    %broadcast_in_dim3A_23 = arith.constant 1.000000e+00 : f32
    %broadcast_in_dim3A_24 = vector.broadcast %broadcast_in_dim3A_23 : f32 to vector<16xf32>
    %swap3A_25 = arith.constant 64 : index
    %swap3A_26 = tpu.vector_load %arg6[%swap3A_25] {strides = array<i32>} : memref<80xf32, #tpu.memory_space<vmem>>, vector<16xf32>,
    %swap3A_27 = vector.shape_cast %swap3A_26 : vector<16xf32> to vector<16xf32>
    %swap3A_28 = vector.shape_cast %broadcast_in_dim3A_24 : vector<16xf32> to vector<16xf32>
    tpu.vector_store %arg6[%swap3A_25], %swap3A_28 {strides = array<i32>} : memref<80xf32, #tpu.memory_space<vmem>>, vector<16xf32>,
    %lt3A = arith.constant 15 : i32
    %lt3A_29 = arith.cmpi slt, %arg1, %lt3A : i32
    %convert_element_type3A = arith.extui %lt3A_29 : i1 to i32
    %cond3A = arith.constant 0 : i32
    %cond3A_30 = arith.cmpi ne, %convert_element_type3A, %cond3A : i32
    scf.if %cond3A_30 {
      %mul3A_51 = arith.constant 624 : i32
      %mul3A_52 = arith.muli %arg1, %mul3A_51 : i32
      %mul3A_53 = arith.constant 624 : i32
      %mul3A_54 = arith.muli %arg1, %mul3A_53 : i32
      "tpu.region"() ({
        %run_scoped3A = tpu.sem_alloc : memref<!tpu.dma_semaphore, #tpu.memory_space<semaphore_mem>>
        %dma_start3A = tpu.memref_slice %arg7[%mul3A_54] : memref<10000xf32, #tpu.memory_space<vmem_shared>> -> memref<624xf32, #tpu.memory_space<vmem_shared>>
        %dma_start3A_55 = tpu.memref_slice %arg3[%mul3A_52] : memref<10000xf32, #tpu.memory_space<hbm>> -> memref<624xf32, #tpu.memory_space<hbm>>
        tpu.enqueue_dma source(%dma_start3A_55 : memref<624xf32, #tpu.memory_space<hbm>>) target(%dma_start3A : memref<624xf32, #tpu.memory_space<vmem_shared>>) target_semaphore(%run_scoped3A : memref<!tpu.dma_semaphore, #tpu.memory_space<semaphore_mem>>)
        %dma_wait3A = tpu.memref_slice %arg7[%mul3A_54] : memref<10000xf32, #tpu.memory_space<vmem_shared>> -> memref<624xf32, #tpu.memory_space<vmem_shared>>
        %dma_wait3A_56 = tpu.memref_slice %arg3[%mul3A_52] : memref<10000xf32, #tpu.memory_space<hbm>> -> memref<624xf32, #tpu.memory_space<hbm>>
        tpu.wait_dma2 semaphore(%run_scoped3A : memref<!tpu.dma_semaphore, #tpu.memory_space<semaphore_mem>>) src(%dma_wait3A_56 : memref<624xf32, #tpu.memory_space<hbm>>) dst(%dma_wait3A : memref<624xf32, #tpu.memory_space<vmem_shared>>)
        tpu.yield
      }) : () -> ()
    } else {
    }
    %eq3A = arith.constant 15 : i32
    %eq3A_31 = arith.cmpi eq, %arg1, %eq3A : i32
    %convert_element_type3A_32 = arith.extui %eq3A_31 : i1 to i32
    %cond3A_33 = arith.constant 0 : i32
    %cond3A_34 = arith.cmpi ne, %convert_element_type3A_32, %cond3A_33 : i32
    scf.if %cond3A_34 {
      "tpu.region"() ({
        %run_scoped3A = tpu.sem_alloc : memref<!tpu.dma_semaphore, #tpu.memory_space<semaphore_mem>>
        %dma_start3A = arith.constant 9360 : i32
        %dma_start3A_51 = tpu.memref_slice %arg7[%dma_start3A] : memref<10000xf32, #tpu.memory_space<vmem_shared>> -> memref<640xf32, #tpu.memory_space<vmem_shared>>
        %dma_start3A_52 = arith.constant 9360 : i32
        %dma_start3A_53 = tpu.memref_slice %arg3[%dma_start3A_52] : memref<10000xf32, #tpu.memory_space<hbm>> -> memref<640xf32, #tpu.memory_space<hbm>>
        tpu.enqueue_dma source(%dma_start3A_53 : memref<640xf32, #tpu.memory_space<hbm>>) target(%dma_start3A_51 : memref<640xf32, #tpu.memory_space<vmem_shared>>) target_semaphore(%run_scoped3A : memref<!tpu.dma_semaphore, #tpu.memory_space<semaphore_mem>>)
        %dma_wait3A = arith.constant 9360 : i32
        %dma_wait3A_54 = tpu.memref_slice %arg7[%dma_wait3A] : memref<10000xf32, #tpu.memory_space<vmem_shared>> -> memref<640xf32, #tpu.memory_space<vmem_shared>>
        %dma_wait3A_55 = arith.constant 9360 : i32
        %dma_wait3A_56 = tpu.memref_slice %arg3[%dma_wait3A_55] : memref<10000xf32, #tpu.memory_space<hbm>> -> memref<640xf32, #tpu.memory_space<hbm>>
        tpu.wait_dma2 semaphore(%run_scoped3A : memref<!tpu.dma_semaphore, #tpu.memory_space<semaphore_mem>>) src(%dma_wait3A_56 : memref<640xf32, #tpu.memory_space<hbm>>) dst(%dma_wait3A_54 : memref<640xf32, #tpu.memory_space<vmem_shared>>)
        tpu.yield
      }) : () -> ()
    } else {
    }
    "tpu.region"() ({
      %run_scoped3A = tpu.sem_alloc : memref<!tpu.dma_semaphore, #tpu.memory_space<semaphore_mem>>
      %dma_start3A = arith.constant 0 : i32
      %dma_start3A_51 = arith.constant 0 : i32
      %dma_start3A_52 = tpu.memref_slice %arg2[%add3A, %dma_start3A, %dma_start3A_51] : memref<32x125x80xi32, #tpu.memory_space<hbm>> -> memref<1x125x80xi32, #tpu.memory_space<hbm>>
      %dma_start3A_53 = tpu.memref_squeeze %dma_start3A_52 : memref<1x125x80xi32, #tpu.memory_space<hbm>> -> memref<125x80xi32, #tpu.memory_space<hbm>>
      %dma_start3A_54 = arith.constant 0 : i32
      %dma_start3A_55 = arith.constant 0 : i32
      %dma_start3A_56 = tpu.memref_slice %arg2[%add3A, %dma_start3A_54, %dma_start3A_55] : memref<32x125x80xi32, #tpu.memory_space<hbm>> -> memref<1x125x80xi32, #tpu.memory_space<hbm>>
      %dma_start3A_57 = tpu.memref_squeeze %dma_start3A_56 : memref<1x125x80xi32, #tpu.memory_space<hbm>> -> memref<125x80xi32, #tpu.memory_space<hbm>>
      tpu.enqueue_dma source(%dma_start3A_57 : memref<125x80xi32, #tpu.memory_space<hbm>>) target(%arg5 : memref<125x80xi32, #tpu.memory_space<vmem>>) target_semaphore(%run_scoped3A : memref<!tpu.dma_semaphore, #tpu.memory_space<semaphore_mem>>)
      %dma_wait3A = arith.constant 0 : i32
      %dma_wait3A_58 = arith.constant 0 : i32
      %dma_wait3A_59 = tpu.memref_slice %arg2[%add3A, %dma_wait3A, %dma_wait3A_58] : memref<32x125x80xi32, #tpu.memory_space<hbm>> -> memref<1x125x80xi32, #tpu.memory_space<hbm>>
      %dma_wait3A_60 = tpu.memref_squeeze %dma_wait3A_59 : memref<1x125x80xi32, #tpu.memory_space<hbm>> -> memref<125x80xi32, #tpu.memory_space<hbm>>
      %dma_wait3A_61 = arith.constant 0 : i32
      %dma_wait3A_62 = arith.constant 0 : i32
      %dma_wait3A_63 = tpu.memref_slice %arg2[%add3A, %dma_wait3A_61, %dma_wait3A_62] : memref<32x125x80xi32, #tpu.memory_space<hbm>> -> memref<1x125x80xi32, #tpu.memory_space<hbm>>
      %dma_wait3A_64 = tpu.memref_squeeze %dma_wait3A_63 : memref<1x125x80xi32, #tpu.memory_space<hbm>> -> memref<125x80xi32, #tpu.memory_space<hbm>>
      tpu.wait_dma2 semaphore(%run_scoped3A : memref<!tpu.dma_semaphore, #tpu.memory_space<semaphore_mem>>) src(%dma_wait3A_64 : memref<125x80xi32, #tpu.memory_space<hbm>>) dst(%arg5 : memref<125x80xi32, #tpu.memory_space<vmem>>)
      tpu.yield
    }) : () -> ()
    %barrier3A = arith.constant 0 : index
    tpu.barrier barrier_id(%barrier3A)
    %scan3A = arith.constant 0 : i32
    %scan3A_35 = arith.constant 0 : i32
    %scan3A_36 = arith.constant 125 : i32
    %scan3A_37 = arith.addi %scan3A_35, %scan3A_36 : i32
    %scan3A_38 = arith.constant 1 : i32
    scf.for %scan3A_51 = %scan3A_35 to %scan3A_37 step %scan3A_38  : i32 {
      "tpu.region"() ({
        %run_scoped3A = tpu.sem_alloc : memref<!tpu.dma_semaphore, #tpu.memory_space<semaphore_mem>>
        %dma_start3A = arith.constant 0 : i32
        %dma_start3A_52 = tpu.memref_slice %arg5[%scan3A_51, %dma_start3A] : memref<125x80xi32, #tpu.memory_space<vmem>> -> memref<1x80xi32, #tpu.memory_space<vmem>>
        %dma_start3A_53 = tpu.memref_squeeze %dma_start3A_52 : memref<1x80xi32, #tpu.memory_space<vmem>> -> memref<80xi32, #tpu.memory_space<vmem>>
        %dma_start3A_54 = arith.constant 0 : i32
        %dma_start3A_55 = tpu.memref_slice %arg7[%dma_start3A_54] : memref<10000xf32, #tpu.memory_space<vmem_shared>> -> memref<10000xf32, #tpu.memory_space<vmem_shared>>
        tpu.enqueue_indirect_dma source(%arg6 : memref<80xf32, #tpu.memory_space<vmem>>) target(%dma_start3A_55 : memref<10000xf32, #tpu.memory_space<vmem_shared>>) offsets(%dma_start3A_53 : memref<80xi32, #tpu.memory_space<vmem>>) semaphore(%run_scoped3A : memref<!tpu.dma_semaphore, #tpu.memory_space<semaphore_mem>>) {add = true}
        %dma_wait3A = arith.constant 0 : i32
        %dma_wait3A_56 = tpu.memref_slice %arg5[%scan3A_51, %dma_wait3A] : memref<125x80xi32, #tpu.memory_space<vmem>> -> memref<1x80xi32, #tpu.memory_space<vmem>>
        %dma_wait3A_57 = tpu.memref_squeeze %dma_wait3A_56 : memref<1x80xi32, #tpu.memory_space<vmem>> -> memref<80xi32, #tpu.memory_space<vmem>>
        %dma_wait3A_58 = arith.constant 0 : i32
        %dma_wait3A_59 = tpu.memref_slice %arg7[%dma_wait3A_58] : memref<10000xf32, #tpu.memory_space<vmem_shared>> -> memref<10000xf32, #tpu.memory_space<vmem_shared>>
        tpu.wait_indirect_dma semaphore(%run_scoped3A : memref<!tpu.dma_semaphore, #tpu.memory_space<semaphore_mem>>) src(%arg6 : memref<80xf32, #tpu.memory_space<vmem>>) dst(%dma_wait3A_59 : memref<10000xf32, #tpu.memory_space<vmem_shared>>)
        tpu.yield
      }) : () -> ()
    }
    %scan3A_39 = arith.constant 125 : i32
    %barrier3A_40 = arith.constant 0 : index
    tpu.barrier barrier_id(%barrier3A_40)
    %lt3A_41 = arith.constant 15 : i32
    %lt3A_42 = arith.cmpi slt, %arg1, %lt3A_41 : i32
    %convert_element_type3A_43 = arith.extui %lt3A_42 : i1 to i32
    %cond3A_44 = arith.constant 0 : i32
    %cond3A_45 = arith.cmpi ne, %convert_element_type3A_43, %cond3A_44 : i32
    scf.if %cond3A_45 {
      %mul3A_51 = arith.constant 624 : i32
      %mul3A_52 = arith.muli %arg1, %mul3A_51 : i32
      %mul3A_53 = arith.constant 624 : i32
      %mul3A_54 = arith.muli %arg1, %mul3A_53 : i32
      "tpu.region"() ({
        %run_scoped3A = tpu.sem_alloc : memref<!tpu.dma_semaphore, #tpu.memory_space<semaphore_mem>>
        %dma_start3A = arith.constant 0 : i32
        %dma_start3A_55 = tpu.memref_slice %arg4[%arg0, %dma_start3A] : memref<2x10000xf32, #tpu.memory_space<hbm>> -> memref<1x10000xf32, #tpu.memory_space<hbm>>
        %dma_start3A_56 = tpu.memref_squeeze %dma_start3A_55 : memref<1x10000xf32, #tpu.memory_space<hbm>> -> memref<10000xf32, #tpu.memory_space<hbm>>
        %dma_start3A_57 = tpu.memref_slice %dma_start3A_56[%mul3A_54] : memref<10000xf32, #tpu.memory_space<hbm>> -> memref<624xf32, #tpu.memory_space<hbm>>
        %dma_start3A_58 = tpu.memref_slice %arg7[%mul3A_52] : memref<10000xf32, #tpu.memory_space<vmem_shared>> -> memref<624xf32, #tpu.memory_space<vmem_shared>>
        tpu.enqueue_dma source(%dma_start3A_58 : memref<624xf32, #tpu.memory_space<vmem_shared>>) target(%dma_start3A_57 : memref<624xf32, #tpu.memory_space<hbm>>) target_semaphore(%run_scoped3A : memref<!tpu.dma_semaphore, #tpu.memory_space<semaphore_mem>>)
        %dma_wait3A = arith.constant 0 : i32
        %dma_wait3A_59 = tpu.memref_slice %arg4[%arg0, %dma_wait3A] : memref<2x10000xf32, #tpu.memory_space<hbm>> -> memref<1x10000xf32, #tpu.memory_space<hbm>>
        %dma_wait3A_60 = tpu.memref_squeeze %dma_wait3A_59 : memref<1x10000xf32, #tpu.memory_space<hbm>> -> memref<10000xf32, #tpu.memory_space<hbm>>
        %dma_wait3A_61 = tpu.memref_slice %dma_wait3A_60[%mul3A_54] : memref<10000xf32, #tpu.memory_space<hbm>> -> memref<624xf32, #tpu.memory_space<hbm>>
        %dma_wait3A_62 = tpu.memref_slice %arg7[%mul3A_52] : memref<10000xf32, #tpu.memory_space<vmem_shared>> -> memref<624xf32, #tpu.memory_space<vmem_shared>>
        tpu.wait_dma2 semaphore(%run_scoped3A : memref<!tpu.dma_semaphore, #tpu.memory_space<semaphore_mem>>) src(%dma_wait3A_62 : memref<624xf32, #tpu.memory_space<vmem_shared>>) dst(%dma_wait3A_61 : memref<624xf32, #tpu.memory_space<hbm>>)
        tpu.yield
      }) : () -> ()
    } else {
    }
    %eq3A_46 = arith.constant 15 : i32
    %eq3A_47 = arith.cmpi eq, %arg1, %eq3A_46 : i32
    %convert_element_type3A_48 = arith.extui %eq3A_47 : i1 to i32
    %cond3A_49 = arith.constant 0 : i32
    %cond3A_50 = arith.cmpi ne, %convert_element_type3A_48, %cond3A_49 : i32
    scf.if %cond3A_50 {
      "tpu.region"() ({
        %run_scoped3A = tpu.sem_alloc : memref<!tpu.dma_semaphore, #tpu.memory_space<semaphore_mem>>
        %dma_start3A = arith.constant 0 : i32
        %dma_start3A_51 = tpu.memref_slice %arg4[%arg0, %dma_start3A] : memref<2x10000xf32, #tpu.memory_space<hbm>> -> memref<1x10000xf32, #tpu.memory_space<hbm>>
        %dma_start3A_52 = tpu.memref_squeeze %dma_start3A_51 : memref<1x10000xf32, #tpu.memory_space<hbm>> -> memref<10000xf32, #tpu.memory_space<hbm>>
        %dma_start3A_53 = arith.constant 9360 : i32
        %dma_start3A_54 = tpu.memref_slice %dma_start3A_52[%dma_start3A_53] : memref<10000xf32, #tpu.memory_space<hbm>> -> memref<640xf32, #tpu.memory_space<hbm>>
        %dma_start3A_55 = arith.constant 9360 : i32
        %dma_start3A_56 = tpu.memref_slice %arg7[%dma_start3A_55] : memref<10000xf32, #tpu.memory_space<vmem_shared>> -> memref<640xf32, #tpu.memory_space<vmem_shared>>
        tpu.enqueue_dma source(%dma_start3A_56 : memref<640xf32, #tpu.memory_space<vmem_shared>>) target(%dma_start3A_54 : memref<640xf32, #tpu.memory_space<hbm>>) target_semaphore(%run_scoped3A : memref<!tpu.dma_semaphore, #tpu.memory_space<semaphore_mem>>)
        %dma_wait3A = arith.constant 0 : i32
        %dma_wait3A_57 = tpu.memref_slice %arg4[%arg0, %dma_wait3A] : memref<2x10000xf32, #tpu.memory_space<hbm>> -> memref<1x10000xf32, #tpu.memory_space<hbm>>
        %dma_wait3A_58 = tpu.memref_squeeze %dma_wait3A_57 : memref<1x10000xf32, #tpu.memory_space<hbm>> -> memref<10000xf32, #tpu.memory_space<hbm>>
        %dma_wait3A_59 = arith.constant 9360 : i32
        %dma_wait3A_60 = tpu.memref_slice %dma_wait3A_58[%dma_wait3A_59] : memref<10000xf32, #tpu.memory_space<hbm>> -> memref<640xf32, #tpu.memory_space<hbm>>
        %dma_wait3A_61 = arith.constant 9360 : i32
        %dma_wait3A_62 = tpu.memref_slice %arg7[%dma_wait3A_61] : memref<10000xf32, #tpu.memory_space<vmem_shared>> -> memref<640xf32, #tpu.memory_space<vmem_shared>>
        tpu.wait_dma2 semaphore(%run_scoped3A : memref<!tpu.dma_semaphore, #tpu.memory_space<semaphore_mem>>) src(%dma_wait3A_62 : memref<640xf32, #tpu.memory_space<vmem_shared>>) dst(%dma_wait3A_60 : memref<640xf32, #tpu.memory_space<hbm>>)
        tpu.yield
      }) : () -> ()
    } else {
    }
    return
  }
}

#map = affine_map<(d0, d1) -> (0, 0)>
#map1 = affine_map<(d0, d1) -> (0, 0, 0, 0)>
#map2 = affine_map<(d0, d1) -> (0, 0, 0)>
module attributes {stable_mosaic.version = 14 : i64} {
  func.func @agg_kernel(%arg0: i32, %arg1: i32, %arg2: memref<20000x64xf32, #tpu.memory_space<hbm>>, %arg3: memref<32x1x250x80xi32, #tpu.memory_space<hbm>>, %arg4: memref<32x250x80xi32, #tpu.memory_space<hbm>>, %arg5: memref<10000x64xf32, #tpu.memory_space<hbm>>, %arg6: memref<2x10000x64xf32, #tpu.memory_space<hbm>>, %arg7: memref<1x250x80xi32, #tpu.memory_space<vmem>>, %arg8: memref<250x80xi32, #tpu.memory_space<vmem>>, %arg9: memref<8x80x64xf32, #tpu.memory_space<vmem>>, %arg10: memref<10000x64xf32, #tpu.memory_space<vmem_shared>>, %arg11: memref<8x!tpu.dma_semaphore, #tpu.memory_space<semaphore_mem>>, %arg12: memref<8x!tpu.dma_semaphore, #tpu.memory_space<semaphore_mem>>) attributes {dimension_semantics = [#tpu.dimension_semantics<core_parallel>, #tpu.dimension_semantics<subcore_parallel>], iteration_bounds = array<i64: 2, 16>, scalar_prefetch = 0 : i64, scratch_operands = 6 : i64, tpu.core_type = #tpu.core_type<sc_vector_subcore>, window_params = [{transform_indices = #map}, {transform_indices = #map1}, {transform_indices = #map2}, {transform_indices = #map}, {transform_indices = #map2}]} {
    %mul3A = arith.constant 16 : i32
    %mul3A_0 = arith.muli %arg0, %mul3A : i32
    %add3A = arith.addi %mul3A_0, %arg1 : i32
    "tpu.region"() ({
      %run_scoped3A = tpu.sem_alloc : memref<!tpu.dma_semaphore, #tpu.memory_space<semaphore_mem>>
      %dma_start3A_182 = arith.constant 0 : i32
      %dma_start3A_183 = arith.constant 0 : i32
      %dma_start3A_184 = tpu.memref_slice %arg4[%add3A, %dma_start3A_182, %dma_start3A_183] : memref<32x250x80xi32, #tpu.memory_space<hbm>> -> memref<1x250x80xi32, #tpu.memory_space<hbm>>
      %dma_start3A_185 = tpu.memref_squeeze %dma_start3A_184 : memref<1x250x80xi32, #tpu.memory_space<hbm>> -> memref<250x80xi32, #tpu.memory_space<hbm>>
      %dma_start3A_186 = arith.constant 0 : i32
      %dma_start3A_187 = arith.constant 0 : i32
      %dma_start3A_188 = tpu.memref_slice %arg4[%add3A, %dma_start3A_186, %dma_start3A_187] : memref<32x250x80xi32, #tpu.memory_space<hbm>> -> memref<1x250x80xi32, #tpu.memory_space<hbm>>
      %dma_start3A_189 = tpu.memref_squeeze %dma_start3A_188 : memref<1x250x80xi32, #tpu.memory_space<hbm>> -> memref<250x80xi32, #tpu.memory_space<hbm>>
      tpu.enqueue_dma source(%dma_start3A_189 : memref<250x80xi32, #tpu.memory_space<hbm>>) target(%arg8 : memref<250x80xi32, #tpu.memory_space<vmem>>) target_semaphore(%run_scoped3A : memref<!tpu.dma_semaphore, #tpu.memory_space<semaphore_mem>>)
      %dma_wait3A_190 = arith.constant 0 : i32
      %dma_wait3A_191 = arith.constant 0 : i32
      %dma_wait3A_192 = tpu.memref_slice %arg4[%add3A, %dma_wait3A_190, %dma_wait3A_191] : memref<32x250x80xi32, #tpu.memory_space<hbm>> -> memref<1x250x80xi32, #tpu.memory_space<hbm>>
      %dma_wait3A_193 = tpu.memref_squeeze %dma_wait3A_192 : memref<1x250x80xi32, #tpu.memory_space<hbm>> -> memref<250x80xi32, #tpu.memory_space<hbm>>
      %dma_wait3A_194 = arith.constant 0 : i32
      %dma_wait3A_195 = arith.constant 0 : i32
      %dma_wait3A_196 = tpu.memref_slice %arg4[%add3A, %dma_wait3A_194, %dma_wait3A_195] : memref<32x250x80xi32, #tpu.memory_space<hbm>> -> memref<1x250x80xi32, #tpu.memory_space<hbm>>
      %dma_wait3A_197 = tpu.memref_squeeze %dma_wait3A_196 : memref<1x250x80xi32, #tpu.memory_space<hbm>> -> memref<250x80xi32, #tpu.memory_space<hbm>>
      tpu.wait_dma2 semaphore(%run_scoped3A : memref<!tpu.dma_semaphore, #tpu.memory_space<semaphore_mem>>) src(%dma_wait3A_197 : memref<250x80xi32, #tpu.memory_space<hbm>>) dst(%arg8 : memref<250x80xi32, #tpu.memory_space<vmem>>)
      tpu.yield
    }) : () -> ()
    "tpu.region"() ({
      %run_scoped3A = tpu.sem_alloc : memref<!tpu.dma_semaphore, #tpu.memory_space<semaphore_mem>>
      %dma_start3A_182 = arith.constant 0 : i32
      %dma_start3A_183 = arith.constant 0 : i32
      %dma_start3A_184 = arith.constant 0 : i32
      %dma_start3A_185 = tpu.memref_slice %arg3[%add3A, %dma_start3A_182, %dma_start3A_183, %dma_start3A_184] : memref<32x1x250x80xi32, #tpu.memory_space<hbm>> -> memref<1x1x250x80xi32, #tpu.memory_space<hbm>>
      %dma_start3A_186 = tpu.memref_squeeze %dma_start3A_185 : memref<1x1x250x80xi32, #tpu.memory_space<hbm>> -> memref<1x250x80xi32, #tpu.memory_space<hbm>>
      %dma_start3A_187 = arith.constant 0 : i32
      %dma_start3A_188 = arith.constant 0 : i32
      %dma_start3A_189 = arith.constant 0 : i32
      %dma_start3A_190 = tpu.memref_slice %arg3[%add3A, %dma_start3A_187, %dma_start3A_188, %dma_start3A_189] : memref<32x1x250x80xi32, #tpu.memory_space<hbm>> -> memref<1x1x250x80xi32, #tpu.memory_space<hbm>>
      %dma_start3A_191 = tpu.memref_squeeze %dma_start3A_190 : memref<1x1x250x80xi32, #tpu.memory_space<hbm>> -> memref<1x250x80xi32, #tpu.memory_space<hbm>>
      tpu.enqueue_dma source(%dma_start3A_191 : memref<1x250x80xi32, #tpu.memory_space<hbm>>) target(%arg7 : memref<1x250x80xi32, #tpu.memory_space<vmem>>) target_semaphore(%run_scoped3A : memref<!tpu.dma_semaphore, #tpu.memory_space<semaphore_mem>>)
      %dma_wait3A_192 = arith.constant 0 : i32
      %dma_wait3A_193 = arith.constant 0 : i32
      %dma_wait3A_194 = arith.constant 0 : i32
      %dma_wait3A_195 = tpu.memref_slice %arg3[%add3A, %dma_wait3A_192, %dma_wait3A_193, %dma_wait3A_194] : memref<32x1x250x80xi32, #tpu.memory_space<hbm>> -> memref<1x1x250x80xi32, #tpu.memory_space<hbm>>
      %dma_wait3A_196 = tpu.memref_squeeze %dma_wait3A_195 : memref<1x1x250x80xi32, #tpu.memory_space<hbm>> -> memref<1x250x80xi32, #tpu.memory_space<hbm>>
      %dma_wait3A_197 = arith.constant 0 : i32
      %dma_wait3A_198 = arith.constant 0 : i32
      %dma_wait3A_199 = arith.constant 0 : i32
      %dma_wait3A_200 = tpu.memref_slice %arg3[%add3A, %dma_wait3A_197, %dma_wait3A_198, %dma_wait3A_199] : memref<32x1x250x80xi32, #tpu.memory_space<hbm>> -> memref<1x1x250x80xi32, #tpu.memory_space<hbm>>
      %dma_wait3A_201 = tpu.memref_squeeze %dma_wait3A_200 : memref<1x1x250x80xi32, #tpu.memory_space<hbm>> -> memref<1x250x80xi32, #tpu.memory_space<hbm>>
      tpu.wait_dma2 semaphore(%run_scoped3A : memref<!tpu.dma_semaphore, #tpu.memory_space<semaphore_mem>>) src(%dma_wait3A_201 : memref<1x250x80xi32, #tpu.memory_space<hbm>>) dst(%arg7 : memref<1x250x80xi32, #tpu.memory_space<vmem>>)
      tpu.yield
    }) : () -> ()
    %lt3A = arith.constant 15 : i32
    %lt3A_1 = arith.cmpi slt, %arg1, %lt3A : i32
    %convert_element_type3A = arith.extui %lt3A_1 : i1 to i32
    %cond3A = arith.constant 0 : i32
    %cond3A_2 = arith.cmpi ne, %convert_element_type3A, %cond3A : i32
    scf.if %cond3A_2 {
      %mul3A_182 = arith.constant 624 : i32
      %mul3A_183 = arith.muli %arg1, %mul3A_182 : i32
      %mul3A_184 = arith.constant 624 : i32
      %mul3A_185 = arith.muli %arg1, %mul3A_184 : i32
      "tpu.region"() ({
        %run_scoped3A = tpu.sem_alloc : memref<!tpu.dma_semaphore, #tpu.memory_space<semaphore_mem>>
        %dma_start3A_186 = arith.constant 0 : i32
        %dma_start3A_187 = tpu.memref_slice %arg10[%mul3A_185, %dma_start3A_186] : memref<10000x64xf32, #tpu.memory_space<vmem_shared>> -> memref<624x64xf32, #tpu.memory_space<vmem_shared>>
        %dma_start3A_188 = arith.constant 0 : i32
        %dma_start3A_189 = tpu.memref_slice %arg5[%mul3A_183, %dma_start3A_188] : memref<10000x64xf32, #tpu.memory_space<hbm>> -> memref<624x64xf32, #tpu.memory_space<hbm>>
        tpu.enqueue_dma source(%dma_start3A_189 : memref<624x64xf32, #tpu.memory_space<hbm>>) target(%dma_start3A_187 : memref<624x64xf32, #tpu.memory_space<vmem_shared>>) target_semaphore(%run_scoped3A : memref<!tpu.dma_semaphore, #tpu.memory_space<semaphore_mem>>)
        %dma_wait3A_190 = arith.constant 0 : i32
        %dma_wait3A_191 = tpu.memref_slice %arg10[%mul3A_185, %dma_wait3A_190] : memref<10000x64xf32, #tpu.memory_space<vmem_shared>> -> memref<624x64xf32, #tpu.memory_space<vmem_shared>>
        %dma_wait3A_192 = arith.constant 0 : i32
        %dma_wait3A_193 = tpu.memref_slice %arg5[%mul3A_183, %dma_wait3A_192] : memref<10000x64xf32, #tpu.memory_space<hbm>> -> memref<624x64xf32, #tpu.memory_space<hbm>>
        tpu.wait_dma2 semaphore(%run_scoped3A : memref<!tpu.dma_semaphore, #tpu.memory_space<semaphore_mem>>) src(%dma_wait3A_193 : memref<624x64xf32, #tpu.memory_space<hbm>>) dst(%dma_wait3A_191 : memref<624x64xf32, #tpu.memory_space<vmem_shared>>)
        tpu.yield
      }) : () -> ()
    } else {
    }
    %eq3A = arith.constant 15 : i32
    %eq3A_3 = arith.cmpi eq, %arg1, %eq3A : i32
    %convert_element_type3A_4 = arith.extui %eq3A_3 : i1 to i32
    %cond3A_5 = arith.constant 0 : i32
    %cond3A_6 = arith.cmpi ne, %convert_element_type3A_4, %cond3A_5 : i32
    scf.if %cond3A_6 {
      "tpu.region"() ({
        %run_scoped3A = tpu.sem_alloc : memref<!tpu.dma_semaphore, #tpu.memory_space<semaphore_mem>>
        %dma_start3A_182 = arith.constant 9360 : i32
        %dma_start3A_183 = arith.constant 0 : i32
        %dma_start3A_184 = tpu.memref_slice %arg10[%dma_start3A_182, %dma_start3A_183] : memref<10000x64xf32, #tpu.memory_space<vmem_shared>> -> memref<640x64xf32, #tpu.memory_space<vmem_shared>>
        %dma_start3A_185 = arith.constant 9360 : i32
        %dma_start3A_186 = arith.constant 0 : i32
        %dma_start3A_187 = tpu.memref_slice %arg5[%dma_start3A_185, %dma_start3A_186] : memref<10000x64xf32, #tpu.memory_space<hbm>> -> memref<640x64xf32, #tpu.memory_space<hbm>>
        tpu.enqueue_dma source(%dma_start3A_187 : memref<640x64xf32, #tpu.memory_space<hbm>>) target(%dma_start3A_184 : memref<640x64xf32, #tpu.memory_space<vmem_shared>>) target_semaphore(%run_scoped3A : memref<!tpu.dma_semaphore, #tpu.memory_space<semaphore_mem>>)
        %dma_wait3A_188 = arith.constant 9360 : i32
        %dma_wait3A_189 = arith.constant 0 : i32
        %dma_wait3A_190 = tpu.memref_slice %arg10[%dma_wait3A_188, %dma_wait3A_189] : memref<10000x64xf32, #tpu.memory_space<vmem_shared>> -> memref<640x64xf32, #tpu.memory_space<vmem_shared>>
        %dma_wait3A_191 = arith.constant 9360 : i32
        %dma_wait3A_192 = arith.constant 0 : i32
        %dma_wait3A_193 = tpu.memref_slice %arg5[%dma_wait3A_191, %dma_wait3A_192] : memref<10000x64xf32, #tpu.memory_space<hbm>> -> memref<640x64xf32, #tpu.memory_space<hbm>>
        tpu.wait_dma2 semaphore(%run_scoped3A : memref<!tpu.dma_semaphore, #tpu.memory_space<semaphore_mem>>) src(%dma_wait3A_193 : memref<640x64xf32, #tpu.memory_space<hbm>>) dst(%dma_wait3A_190 : memref<640x64xf32, #tpu.memory_space<vmem_shared>>)
        tpu.yield
      }) : () -> ()
    } else {
    }
    %barrier3A = arith.constant 0 : index
    tpu.barrier barrier_id(%barrier3A)
    %dma_start3A = arith.constant 0 : i32
    %dma_start3A_7 = arith.constant 0 : i32
    %dma_start3A_8 = arith.constant 0 : i32
    %dma_start3A_9 = arith.constant 0 : i32
    %dma_start3A_10 = arith.constant 0 : i32
    %dma_start3A_11 = arith.constant 0 : i32
    %dma_start3A_12 = tpu.memref_slice %arg9[%dma_start3A_8, %dma_start3A_10, %dma_start3A_11] : memref<8x80x64xf32, #tpu.memory_space<vmem>> -> memref<1x80x64xf32, #tpu.memory_space<vmem>>
    %dma_start3A_13 = tpu.memref_squeeze %dma_start3A_12 : memref<1x80x64xf32, #tpu.memory_space<vmem>> -> memref<80x64xf32, #tpu.memory_space<vmem>>
    %dma_start3A_14 = arith.constant 0 : i32
    %dma_start3A_15 = arith.constant 0 : i32
    %dma_start3A_16 = tpu.memref_slice %arg7[%dma_start3A, %dma_start3A_14, %dma_start3A_15] : memref<1x250x80xi32, #tpu.memory_space<vmem>> -> memref<1x250x80xi32, #tpu.memory_space<vmem>>
    %dma_start3A_17 = tpu.memref_squeeze %dma_start3A_16 : memref<1x250x80xi32, #tpu.memory_space<vmem>> -> memref<250x80xi32, #tpu.memory_space<vmem>>
    %dma_start3A_18 = arith.constant 0 : i32
    %dma_start3A_19 = tpu.memref_slice %dma_start3A_17[%dma_start3A_7, %dma_start3A_18] : memref<250x80xi32, #tpu.memory_space<vmem>> -> memref<1x80xi32, #tpu.memory_space<vmem>>
    %dma_start3A_20 = tpu.memref_squeeze %dma_start3A_19 : memref<1x80xi32, #tpu.memory_space<vmem>> -> memref<80xi32, #tpu.memory_space<vmem>>
    %dma_start3A_21 = arith.constant 0 : i32
    %dma_start3A_22 = arith.constant 0 : i32
    %dma_start3A_23 = tpu.memref_slice %arg2[%dma_start3A_21, %dma_start3A_22] : memref<20000x64xf32, #tpu.memory_space<hbm>> -> memref<20000x64xf32, #tpu.memory_space<hbm>>
    %dma_start3A_24 = tpu.memref_slice %arg11[%dma_start3A_9] : memref<8x!tpu.dma_semaphore, #tpu.memory_space<semaphore_mem>> -> memref<1x!tpu.dma_semaphore, #tpu.memory_space<semaphore_mem>>
    %dma_start3A_25 = tpu.memref_squeeze %dma_start3A_24 : memref<1x!tpu.dma_semaphore, #tpu.memory_space<semaphore_mem>> -> memref<!tpu.dma_semaphore, #tpu.memory_space<semaphore_mem>>
    tpu.enqueue_indirect_dma source(%dma_start3A_23 : memref<20000x64xf32, #tpu.memory_space<hbm>>) target(%dma_start3A_13 : memref<80x64xf32, #tpu.memory_space<vmem>>) offsets(%dma_start3A_20 : memref<80xi32, #tpu.memory_space<vmem>>) semaphore(%dma_start3A_25 : memref<!tpu.dma_semaphore, #tpu.memory_space<semaphore_mem>>)
    %dma_start3A_26 = arith.constant 0 : i32
    %dma_start3A_27 = arith.constant 1 : i32
    %dma_start3A_28 = arith.constant 1 : i32
    %dma_start3A_29 = arith.constant 1 : i32
    %dma_start3A_30 = arith.constant 0 : i32
    %dma_start3A_31 = arith.constant 0 : i32
    %dma_start3A_32 = tpu.memref_slice %arg9[%dma_start3A_28, %dma_start3A_30, %dma_start3A_31] : memref<8x80x64xf32, #tpu.memory_space<vmem>> -> memref<1x80x64xf32, #tpu.memory_space<vmem>>
    %dma_start3A_33 = tpu.memref_squeeze %dma_start3A_32 : memref<1x80x64xf32, #tpu.memory_space<vmem>> -> memref<80x64xf32, #tpu.memory_space<vmem>>
    %dma_start3A_34 = arith.constant 0 : i32
    %dma_start3A_35 = arith.constant 0 : i32
    %dma_start3A_36 = tpu.memref_slice %arg7[%dma_start3A_26, %dma_start3A_34, %dma_start3A_35] : memref<1x250x80xi32, #tpu.memory_space<vmem>> -> memref<1x250x80xi32, #tpu.memory_space<vmem>>
    %dma_start3A_37 = tpu.memref_squeeze %dma_start3A_36 : memref<1x250x80xi32, #tpu.memory_space<vmem>> -> memref<250x80xi32, #tpu.memory_space<vmem>>
    %dma_start3A_38 = arith.constant 0 : i32
    %dma_start3A_39 = tpu.memref_slice %dma_start3A_37[%dma_start3A_27, %dma_start3A_38] : memref<250x80xi32, #tpu.memory_space<vmem>> -> memref<1x80xi32, #tpu.memory_space<vmem>>
    %dma_start3A_40 = tpu.memref_squeeze %dma_start3A_39 : memref<1x80xi32, #tpu.memory_space<vmem>> -> memref<80xi32, #tpu.memory_space<vmem>>
    %dma_start3A_41 = arith.constant 0 : i32
    %dma_start3A_42 = arith.constant 0 : i32
    %dma_start3A_43 = tpu.memref_slice %arg2[%dma_start3A_41, %dma_start3A_42] : memref<20000x64xf32, #tpu.memory_space<hbm>> -> memref<20000x64xf32, #tpu.memory_space<hbm>>
    %dma_start3A_44 = tpu.memref_slice %arg11[%dma_start3A_29] : memref<8x!tpu.dma_semaphore, #tpu.memory_space<semaphore_mem>> -> memref<1x!tpu.dma_semaphore, #tpu.memory_space<semaphore_mem>>
    %dma_start3A_45 = tpu.memref_squeeze %dma_start3A_44 : memref<1x!tpu.dma_semaphore, #tpu.memory_space<semaphore_mem>> -> memref<!tpu.dma_semaphore, #tpu.memory_space<semaphore_mem>>
    tpu.enqueue_indirect_dma source(%dma_start3A_43 : memref<20000x64xf32, #tpu.memory_space<hbm>>) target(%dma_start3A_33 : memref<80x64xf32, #tpu.memory_space<vmem>>) offsets(%dma_start3A_40 : memref<80xi32, #tpu.memory_space<vmem>>) semaphore(%dma_start3A_45 : memref<!tpu.dma_semaphore, #tpu.memory_space<semaphore_mem>>)
    %dma_start3A_46 = arith.constant 0 : i32
    %dma_start3A_47 = arith.constant 2 : i32
    %dma_start3A_48 = arith.constant 2 : i32
    %dma_start3A_49 = arith.constant 2 : i32
    %dma_start3A_50 = arith.constant 0 : i32
    %dma_start3A_51 = arith.constant 0 : i32
    %dma_start3A_52 = tpu.memref_slice %arg9[%dma_start3A_48, %dma_start3A_50, %dma_start3A_51] : memref<8x80x64xf32, #tpu.memory_space<vmem>> -> memref<1x80x64xf32, #tpu.memory_space<vmem>>
    %dma_start3A_53 = tpu.memref_squeeze %dma_start3A_52 : memref<1x80x64xf32, #tpu.memory_space<vmem>> -> memref<80x64xf32, #tpu.memory_space<vmem>>
    %dma_start3A_54 = arith.constant 0 : i32
    %dma_start3A_55 = arith.constant 0 : i32
    %dma_start3A_56 = tpu.memref_slice %arg7[%dma_start3A_46, %dma_start3A_54, %dma_start3A_55] : memref<1x250x80xi32, #tpu.memory_space<vmem>> -> memref<1x250x80xi32, #tpu.memory_space<vmem>>
    %dma_start3A_57 = tpu.memref_squeeze %dma_start3A_56 : memref<1x250x80xi32, #tpu.memory_space<vmem>> -> memref<250x80xi32, #tpu.memory_space<vmem>>
    %dma_start3A_58 = arith.constant 0 : i32
    %dma_start3A_59 = tpu.memref_slice %dma_start3A_57[%dma_start3A_47, %dma_start3A_58] : memref<250x80xi32, #tpu.memory_space<vmem>> -> memref<1x80xi32, #tpu.memory_space<vmem>>
    %dma_start3A_60 = tpu.memref_squeeze %dma_start3A_59 : memref<1x80xi32, #tpu.memory_space<vmem>> -> memref<80xi32, #tpu.memory_space<vmem>>
    %dma_start3A_61 = arith.constant 0 : i32
    %dma_start3A_62 = arith.constant 0 : i32
    %dma_start3A_63 = tpu.memref_slice %arg2[%dma_start3A_61, %dma_start3A_62] : memref<20000x64xf32, #tpu.memory_space<hbm>> -> memref<20000x64xf32, #tpu.memory_space<hbm>>
    %dma_start3A_64 = tpu.memref_slice %arg11[%dma_start3A_49] : memref<8x!tpu.dma_semaphore, #tpu.memory_space<semaphore_mem>> -> memref<1x!tpu.dma_semaphore, #tpu.memory_space<semaphore_mem>>
    %dma_start3A_65 = tpu.memref_squeeze %dma_start3A_64 : memref<1x!tpu.dma_semaphore, #tpu.memory_space<semaphore_mem>> -> memref<!tpu.dma_semaphore, #tpu.memory_space<semaphore_mem>>
    tpu.enqueue_indirect_dma source(%dma_start3A_63 : memref<20000x64xf32, #tpu.memory_space<hbm>>) target(%dma_start3A_53 : memref<80x64xf32, #tpu.memory_space<vmem>>) offsets(%dma_start3A_60 : memref<80xi32, #tpu.memory_space<vmem>>) semaphore(%dma_start3A_65 : memref<!tpu.dma_semaphore, #tpu.memory_space<semaphore_mem>>)
    %dma_start3A_66 = arith.constant 0 : i32
    %dma_start3A_67 = arith.constant 3 : i32
    %dma_start3A_68 = arith.constant 3 : i32
    %dma_start3A_69 = arith.constant 3 : i32
    %dma_start3A_70 = arith.constant 0 : i32
    %dma_start3A_71 = arith.constant 0 : i32
    %dma_start3A_72 = tpu.memref_slice %arg9[%dma_start3A_68, %dma_start3A_70, %dma_start3A_71] : memref<8x80x64xf32, #tpu.memory_space<vmem>> -> memref<1x80x64xf32, #tpu.memory_space<vmem>>
    %dma_start3A_73 = tpu.memref_squeeze %dma_start3A_72 : memref<1x80x64xf32, #tpu.memory_space<vmem>> -> memref<80x64xf32, #tpu.memory_space<vmem>>
    %dma_start3A_74 = arith.constant 0 : i32
    %dma_start3A_75 = arith.constant 0 : i32
    %dma_start3A_76 = tpu.memref_slice %arg7[%dma_start3A_66, %dma_start3A_74, %dma_start3A_75] : memref<1x250x80xi32, #tpu.memory_space<vmem>> -> memref<1x250x80xi32, #tpu.memory_space<vmem>>
    %dma_start3A_77 = tpu.memref_squeeze %dma_start3A_76 : memref<1x250x80xi32, #tpu.memory_space<vmem>> -> memref<250x80xi32, #tpu.memory_space<vmem>>
    %dma_start3A_78 = arith.constant 0 : i32
    %dma_start3A_79 = tpu.memref_slice %dma_start3A_77[%dma_start3A_67, %dma_start3A_78] : memref<250x80xi32, #tpu.memory_space<vmem>> -> memref<1x80xi32, #tpu.memory_space<vmem>>
    %dma_start3A_80 = tpu.memref_squeeze %dma_start3A_79 : memref<1x80xi32, #tpu.memory_space<vmem>> -> memref<80xi32, #tpu.memory_space<vmem>>
    %dma_start3A_81 = arith.constant 0 : i32
    %dma_start3A_82 = arith.constant 0 : i32
    %dma_start3A_83 = tpu.memref_slice %arg2[%dma_start3A_81, %dma_start3A_82] : memref<20000x64xf32, #tpu.memory_space<hbm>> -> memref<20000x64xf32, #tpu.memory_space<hbm>>
    %dma_start3A_84 = tpu.memref_slice %arg11[%dma_start3A_69] : memref<8x!tpu.dma_semaphore, #tpu.memory_space<semaphore_mem>> -> memref<1x!tpu.dma_semaphore, #tpu.memory_space<semaphore_mem>>
    %dma_start3A_85 = tpu.memref_squeeze %dma_start3A_84 : memref<1x!tpu.dma_semaphore, #tpu.memory_space<semaphore_mem>> -> memref<!tpu.dma_semaphore, #tpu.memory_space<semaphore_mem>>
    tpu.enqueue_indirect_dma source(%dma_start3A_83 : memref<20000x64xf32, #tpu.memory_space<hbm>>) target(%dma_start3A_73 : memref<80x64xf32, #tpu.memory_space<vmem>>) offsets(%dma_start3A_80 : memref<80xi32, #tpu.memory_space<vmem>>) semaphore(%dma_start3A_85 : memref<!tpu.dma_semaphore, #tpu.memory_space<semaphore_mem>>)
    %dma_start3A_86 = arith.constant 0 : i32
    %dma_start3A_87 = arith.constant 4 : i32
    %dma_start3A_88 = arith.constant 4 : i32
    %dma_start3A_89 = arith.constant 4 : i32
    %dma_start3A_90 = arith.constant 0 : i32
    %dma_start3A_91 = arith.constant 0 : i32
    %dma_start3A_92 = tpu.memref_slice %arg9[%dma_start3A_88, %dma_start3A_90, %dma_start3A_91] : memref<8x80x64xf32, #tpu.memory_space<vmem>> -> memref<1x80x64xf32, #tpu.memory_space<vmem>>
    %dma_start3A_93 = tpu.memref_squeeze %dma_start3A_92 : memref<1x80x64xf32, #tpu.memory_space<vmem>> -> memref<80x64xf32, #tpu.memory_space<vmem>>
    %dma_start3A_94 = arith.constant 0 : i32
    %dma_start3A_95 = arith.constant 0 : i32
    %dma_start3A_96 = tpu.memref_slice %arg7[%dma_start3A_86, %dma_start3A_94, %dma_start3A_95] : memref<1x250x80xi32, #tpu.memory_space<vmem>> -> memref<1x250x80xi32, #tpu.memory_space<vmem>>
    %dma_start3A_97 = tpu.memref_squeeze %dma_start3A_96 : memref<1x250x80xi32, #tpu.memory_space<vmem>> -> memref<250x80xi32, #tpu.memory_space<vmem>>
    %dma_start3A_98 = arith.constant 0 : i32
    %dma_start3A_99 = tpu.memref_slice %dma_start3A_97[%dma_start3A_87, %dma_start3A_98] : memref<250x80xi32, #tpu.memory_space<vmem>> -> memref<1x80xi32, #tpu.memory_space<vmem>>
    %dma_start3A_100 = tpu.memref_squeeze %dma_start3A_99 : memref<1x80xi32, #tpu.memory_space<vmem>> -> memref<80xi32, #tpu.memory_space<vmem>>
    %dma_start3A_101 = arith.constant 0 : i32
    %dma_start3A_102 = arith.constant 0 : i32
    %dma_start3A_103 = tpu.memref_slice %arg2[%dma_start3A_101, %dma_start3A_102] : memref<20000x64xf32, #tpu.memory_space<hbm>> -> memref<20000x64xf32, #tpu.memory_space<hbm>>
    %dma_start3A_104 = tpu.memref_slice %arg11[%dma_start3A_89] : memref<8x!tpu.dma_semaphore, #tpu.memory_space<semaphore_mem>> -> memref<1x!tpu.dma_semaphore, #tpu.memory_space<semaphore_mem>>
    %dma_start3A_105 = tpu.memref_squeeze %dma_start3A_104 : memref<1x!tpu.dma_semaphore, #tpu.memory_space<semaphore_mem>> -> memref<!tpu.dma_semaphore, #tpu.memory_space<semaphore_mem>>
    tpu.enqueue_indirect_dma source(%dma_start3A_103 : memref<20000x64xf32, #tpu.memory_space<hbm>>) target(%dma_start3A_93 : memref<80x64xf32, #tpu.memory_space<vmem>>) offsets(%dma_start3A_100 : memref<80xi32, #tpu.memory_space<vmem>>) semaphore(%dma_start3A_105 : memref<!tpu.dma_semaphore, #tpu.memory_space<semaphore_mem>>)
    %dma_start3A_106 = arith.constant 0 : i32
    %dma_start3A_107 = arith.constant 5 : i32
    %dma_start3A_108 = arith.constant 5 : i32
    %dma_start3A_109 = arith.constant 5 : i32
    %dma_start3A_110 = arith.constant 0 : i32
    %dma_start3A_111 = arith.constant 0 : i32
    %dma_start3A_112 = tpu.memref_slice %arg9[%dma_start3A_108, %dma_start3A_110, %dma_start3A_111] : memref<8x80x64xf32, #tpu.memory_space<vmem>> -> memref<1x80x64xf32, #tpu.memory_space<vmem>>
    %dma_start3A_113 = tpu.memref_squeeze %dma_start3A_112 : memref<1x80x64xf32, #tpu.memory_space<vmem>> -> memref<80x64xf32, #tpu.memory_space<vmem>>
    %dma_start3A_114 = arith.constant 0 : i32
    %dma_start3A_115 = arith.constant 0 : i32
    %dma_start3A_116 = tpu.memref_slice %arg7[%dma_start3A_106, %dma_start3A_114, %dma_start3A_115] : memref<1x250x80xi32, #tpu.memory_space<vmem>> -> memref<1x250x80xi32, #tpu.memory_space<vmem>>
    %dma_start3A_117 = tpu.memref_squeeze %dma_start3A_116 : memref<1x250x80xi32, #tpu.memory_space<vmem>> -> memref<250x80xi32, #tpu.memory_space<vmem>>
    %dma_start3A_118 = arith.constant 0 : i32
    %dma_start3A_119 = tpu.memref_slice %dma_start3A_117[%dma_start3A_107, %dma_start3A_118] : memref<250x80xi32, #tpu.memory_space<vmem>> -> memref<1x80xi32, #tpu.memory_space<vmem>>
    %dma_start3A_120 = tpu.memref_squeeze %dma_start3A_119 : memref<1x80xi32, #tpu.memory_space<vmem>> -> memref<80xi32, #tpu.memory_space<vmem>>
    %dma_start3A_121 = arith.constant 0 : i32
    %dma_start3A_122 = arith.constant 0 : i32
    %dma_start3A_123 = tpu.memref_slice %arg2[%dma_start3A_121, %dma_start3A_122] : memref<20000x64xf32, #tpu.memory_space<hbm>> -> memref<20000x64xf32, #tpu.memory_space<hbm>>
    %dma_start3A_124 = tpu.memref_slice %arg11[%dma_start3A_109] : memref<8x!tpu.dma_semaphore, #tpu.memory_space<semaphore_mem>> -> memref<1x!tpu.dma_semaphore, #tpu.memory_space<semaphore_mem>>
    %dma_start3A_125 = tpu.memref_squeeze %dma_start3A_124 : memref<1x!tpu.dma_semaphore, #tpu.memory_space<semaphore_mem>> -> memref<!tpu.dma_semaphore, #tpu.memory_space<semaphore_mem>>
    tpu.enqueue_indirect_dma source(%dma_start3A_123 : memref<20000x64xf32, #tpu.memory_space<hbm>>) target(%dma_start3A_113 : memref<80x64xf32, #tpu.memory_space<vmem>>) offsets(%dma_start3A_120 : memref<80xi32, #tpu.memory_space<vmem>>) semaphore(%dma_start3A_125 : memref<!tpu.dma_semaphore, #tpu.memory_space<semaphore_mem>>)
    %dma_start3A_126 = arith.constant 0 : i32
    %dma_start3A_127 = arith.constant 6 : i32
    %dma_start3A_128 = arith.constant 6 : i32
    %dma_start3A_129 = arith.constant 6 : i32
    %dma_start3A_130 = arith.constant 0 : i32
    %dma_start3A_131 = arith.constant 0 : i32
    %dma_start3A_132 = tpu.memref_slice %arg9[%dma_start3A_128, %dma_start3A_130, %dma_start3A_131] : memref<8x80x64xf32, #tpu.memory_space<vmem>> -> memref<1x80x64xf32, #tpu.memory_space<vmem>>
    %dma_start3A_133 = tpu.memref_squeeze %dma_start3A_132 : memref<1x80x64xf32, #tpu.memory_space<vmem>> -> memref<80x64xf32, #tpu.memory_space<vmem>>
    %dma_start3A_134 = arith.constant 0 : i32
    %dma_start3A_135 = arith.constant 0 : i32
    %dma_start3A_136 = tpu.memref_slice %arg7[%dma_start3A_126, %dma_start3A_134, %dma_start3A_135] : memref<1x250x80xi32, #tpu.memory_space<vmem>> -> memref<1x250x80xi32, #tpu.memory_space<vmem>>
    %dma_start3A_137 = tpu.memref_squeeze %dma_start3A_136 : memref<1x250x80xi32, #tpu.memory_space<vmem>> -> memref<250x80xi32, #tpu.memory_space<vmem>>
    %dma_start3A_138 = arith.constant 0 : i32
    %dma_start3A_139 = tpu.memref_slice %dma_start3A_137[%dma_start3A_127, %dma_start3A_138] : memref<250x80xi32, #tpu.memory_space<vmem>> -> memref<1x80xi32, #tpu.memory_space<vmem>>
    %dma_start3A_140 = tpu.memref_squeeze %dma_start3A_139 : memref<1x80xi32, #tpu.memory_space<vmem>> -> memref<80xi32, #tpu.memory_space<vmem>>
    %dma_start3A_141 = arith.constant 0 : i32
    %dma_start3A_142 = arith.constant 0 : i32
    %dma_start3A_143 = tpu.memref_slice %arg2[%dma_start3A_141, %dma_start3A_142] : memref<20000x64xf32, #tpu.memory_space<hbm>> -> memref<20000x64xf32, #tpu.memory_space<hbm>>
    %dma_start3A_144 = tpu.memref_slice %arg11[%dma_start3A_129] : memref<8x!tpu.dma_semaphore, #tpu.memory_space<semaphore_mem>> -> memref<1x!tpu.dma_semaphore, #tpu.memory_space<semaphore_mem>>
    %dma_start3A_145 = tpu.memref_squeeze %dma_start3A_144 : memref<1x!tpu.dma_semaphore, #tpu.memory_space<semaphore_mem>> -> memref<!tpu.dma_semaphore, #tpu.memory_space<semaphore_mem>>
    tpu.enqueue_indirect_dma source(%dma_start3A_143 : memref<20000x64xf32, #tpu.memory_space<hbm>>) target(%dma_start3A_133 : memref<80x64xf32, #tpu.memory_space<vmem>>) offsets(%dma_start3A_140 : memref<80xi32, #tpu.memory_space<vmem>>) semaphore(%dma_start3A_145 : memref<!tpu.dma_semaphore, #tpu.memory_space<semaphore_mem>>)
    %scan3A = arith.constant 0 : i32
    %scan3A_146 = arith.constant 0 : i32
    %scan3A_147 = arith.constant 0 : i32
    %scan3A_148 = arith.constant 250 : i32
    %scan3A_149 = arith.addi %scan3A_147, %scan3A_148 : i32
    %scan3A_150 = arith.constant 1 : i32
    scf.for %scan3A_182 = %scan3A_147 to %scan3A_149 step %scan3A_150  : i32 {
      %rem3A_183 = arith.constant 8 : i32
      %rem3A_184 = arith.remsi %scan3A_182, %rem3A_183 : i32
      %dma_wait3A_185 = arith.constant 0 : i32
      %dma_wait3A_186 = arith.constant 0 : i32
      %dma_wait3A_187 = tpu.memref_slice %arg9[%rem3A_184, %dma_wait3A_185, %dma_wait3A_186] : memref<8x80x64xf32, #tpu.memory_space<vmem>> -> memref<1x80x64xf32, #tpu.memory_space<vmem>>
      %dma_wait3A_188 = tpu.memref_squeeze %dma_wait3A_187 : memref<1x80x64xf32, #tpu.memory_space<vmem>> -> memref<80x64xf32, #tpu.memory_space<vmem>>
      %dma_wait3A_189 = arith.constant 0 : i32
      %dma_wait3A_190 = arith.constant 0 : i32
      %dma_wait3A_191 = tpu.memref_slice %arg7[%scan3A_146, %dma_wait3A_189, %dma_wait3A_190] : memref<1x250x80xi32, #tpu.memory_space<vmem>> -> memref<1x250x80xi32, #tpu.memory_space<vmem>>
      %dma_wait3A_192 = tpu.memref_squeeze %dma_wait3A_191 : memref<1x250x80xi32, #tpu.memory_space<vmem>> -> memref<250x80xi32, #tpu.memory_space<vmem>>
      %dma_wait3A_193 = arith.constant 0 : i32
      %dma_wait3A_194 = tpu.memref_slice %dma_wait3A_192[%scan3A_182, %dma_wait3A_193] : memref<250x80xi32, #tpu.memory_space<vmem>> -> memref<1x80xi32, #tpu.memory_space<vmem>>
      %dma_wait3A_195 = tpu.memref_squeeze %dma_wait3A_194 : memref<1x80xi32, #tpu.memory_space<vmem>> -> memref<80xi32, #tpu.memory_space<vmem>>
      %dma_wait3A_196 = arith.constant 0 : i32
      %dma_wait3A_197 = arith.constant 0 : i32
      %dma_wait3A_198 = tpu.memref_slice %arg2[%dma_wait3A_196, %dma_wait3A_197] : memref<20000x64xf32, #tpu.memory_space<hbm>> -> memref<20000x64xf32, #tpu.memory_space<hbm>>
      %dma_wait3A_199 = tpu.memref_slice %arg11[%rem3A_184] : memref<8x!tpu.dma_semaphore, #tpu.memory_space<semaphore_mem>> -> memref<1x!tpu.dma_semaphore, #tpu.memory_space<semaphore_mem>>
      %dma_wait3A_200 = tpu.memref_squeeze %dma_wait3A_199 : memref<1x!tpu.dma_semaphore, #tpu.memory_space<semaphore_mem>> -> memref<!tpu.dma_semaphore, #tpu.memory_space<semaphore_mem>>
      tpu.wait_indirect_dma semaphore(%dma_wait3A_200 : memref<!tpu.dma_semaphore, #tpu.memory_space<semaphore_mem>>) src(%dma_wait3A_198 : memref<20000x64xf32, #tpu.memory_space<hbm>>) dst(%dma_wait3A_188 : memref<80x64xf32, #tpu.memory_space<vmem>>)
      %dma_start3A_201 = arith.constant 0 : i32
      %dma_start3A_202 = arith.constant 0 : i32
      %dma_start3A_203 = tpu.memref_slice %arg9[%rem3A_184, %dma_start3A_201, %dma_start3A_202] : memref<8x80x64xf32, #tpu.memory_space<vmem>> -> memref<1x80x64xf32, #tpu.memory_space<vmem>>
      %dma_start3A_204 = tpu.memref_squeeze %dma_start3A_203 : memref<1x80x64xf32, #tpu.memory_space<vmem>> -> memref<80x64xf32, #tpu.memory_space<vmem>>
      %dma_start3A_205 = arith.constant 0 : i32
      %dma_start3A_206 = tpu.memref_slice %arg8[%scan3A_182, %dma_start3A_205] : memref<250x80xi32, #tpu.memory_space<vmem>> -> memref<1x80xi32, #tpu.memory_space<vmem>>
      %dma_start3A_207 = tpu.memref_squeeze %dma_start3A_206 : memref<1x80xi32, #tpu.memory_space<vmem>> -> memref<80xi32, #tpu.memory_space<vmem>>
      %dma_start3A_208 = arith.constant 0 : i32
      %dma_start3A_209 = arith.constant 0 : i32
      %dma_start3A_210 = tpu.memref_slice %arg10[%dma_start3A_208, %dma_start3A_209] : memref<10000x64xf32, #tpu.memory_space<vmem_shared>> -> memref<10000x64xf32, #tpu.memory_space<vmem_shared>>
      %dma_start3A_211 = tpu.memref_slice %arg12[%rem3A_184] : memref<8x!tpu.dma_semaphore, #tpu.memory_space<semaphore_mem>> -> memref<1x!tpu.dma_semaphore, #tpu.memory_space<semaphore_mem>>
      %dma_start3A_212 = tpu.memref_squeeze %dma_start3A_211 : memref<1x!tpu.dma_semaphore, #tpu.memory_space<semaphore_mem>> -> memref<!tpu.dma_semaphore, #tpu.memory_space<semaphore_mem>>
      tpu.enqueue_indirect_dma source(%dma_start3A_204 : memref<80x64xf32, #tpu.memory_space<vmem>>) target(%dma_start3A_210 : memref<10000x64xf32, #tpu.memory_space<vmem_shared>>) offsets(%dma_start3A_207 : memref<80xi32, #tpu.memory_space<vmem>>) semaphore(%dma_start3A_212 : memref<!tpu.dma_semaphore, #tpu.memory_space<semaphore_mem>>) {add = true}
      %add3A_213 = arith.constant 8 : i32
      %add3A_214 = arith.addi %scan3A_182, %add3A_213 : i32
      %sub3A = arith.constant 1 : i32
      %sub3A_215 = arith.subi %add3A_214, %sub3A : i32
      %rem3A_216 = arith.constant 8 : i32
      %rem3A_217 = arith.remsi %sub3A_215, %rem3A_216 : i32
      %ge3A = arith.constant 1 : i32
      %ge3A_218 = arith.cmpi sge, %scan3A_182, %ge3A : i32
      %convert_element_type3A_219 = arith.extui %ge3A_218 : i1 to i32
      %cond3A_220 = arith.constant 0 : i32
      %cond3A_221 = arith.cmpi ne, %convert_element_type3A_219, %cond3A_220 : i32
      scf.if %cond3A_221 {
        %sub3A_231 = arith.constant 1 : i32
        %sub3A_232 = arith.subi %scan3A_182, %sub3A_231 : i32
        %dma_wait3A_233 = arith.constant 0 : i32
        %dma_wait3A_234 = arith.constant 0 : i32
        %dma_wait3A_235 = tpu.memref_slice %arg9[%rem3A_217, %dma_wait3A_233, %dma_wait3A_234] : memref<8x80x64xf32, #tpu.memory_space<vmem>> -> memref<1x80x64xf32, #tpu.memory_space<vmem>>
        %dma_wait3A_236 = tpu.memref_squeeze %dma_wait3A_235 : memref<1x80x64xf32, #tpu.memory_space<vmem>> -> memref<80x64xf32, #tpu.memory_space<vmem>>
        %dma_wait3A_237 = arith.constant 0 : i32
        %dma_wait3A_238 = tpu.memref_slice %arg8[%sub3A_232, %dma_wait3A_237] : memref<250x80xi32, #tpu.memory_space<vmem>> -> memref<1x80xi32, #tpu.memory_space<vmem>>
        %dma_wait3A_239 = tpu.memref_squeeze %dma_wait3A_238 : memref<1x80xi32, #tpu.memory_space<vmem>> -> memref<80xi32, #tpu.memory_space<vmem>>
        %dma_wait3A_240 = arith.constant 0 : i32
        %dma_wait3A_241 = arith.constant 0 : i32
        %dma_wait3A_242 = tpu.memref_slice %arg10[%dma_wait3A_240, %dma_wait3A_241] : memref<10000x64xf32, #tpu.memory_space<vmem_shared>> -> memref<10000x64xf32, #tpu.memory_space<vmem_shared>>
        %dma_wait3A_243 = tpu.memref_slice %arg12[%rem3A_217] : memref<8x!tpu.dma_semaphore, #tpu.memory_space<semaphore_mem>> -> memref<1x!tpu.dma_semaphore, #tpu.memory_space<semaphore_mem>>
        %dma_wait3A_244 = tpu.memref_squeeze %dma_wait3A_243 : memref<1x!tpu.dma_semaphore, #tpu.memory_space<semaphore_mem>> -> memref<!tpu.dma_semaphore, #tpu.memory_space<semaphore_mem>>
        tpu.wait_indirect_dma semaphore(%dma_wait3A_244 : memref<!tpu.dma_semaphore, #tpu.memory_space<semaphore_mem>>) src(%dma_wait3A_236 : memref<80x64xf32, #tpu.memory_space<vmem>>) dst(%dma_wait3A_242 : memref<10000x64xf32, #tpu.memory_space<vmem_shared>>)
      } else {
      }
      %add3A_222 = arith.constant 8 : i32
      %add3A_223 = arith.addi %scan3A_182, %add3A_222 : i32
      %sub3A_224 = arith.constant 1 : i32
      %sub3A_225 = arith.subi %add3A_223, %sub3A_224 : i32
      %lt3A_226 = arith.constant 250 : i32
      %lt3A_227 = arith.cmpi slt, %sub3A_225, %lt3A_226 : i32
      %convert_element_type3A_228 = arith.extui %lt3A_227 : i1 to i32
      %cond3A_229 = arith.constant 0 : i32
      %cond3A_230 = arith.cmpi ne, %convert_element_type3A_228, %cond3A_229 : i32
      scf.if %cond3A_230 {
        %add3A_231 = arith.constant 8 : i32
        %add3A_232 = arith.addi %scan3A_182, %add3A_231 : i32
        %sub3A_233 = arith.constant 1 : i32
        %sub3A_234 = arith.subi %add3A_232, %sub3A_233 : i32
        %dma_start3A_235 = arith.constant 0 : i32
        %dma_start3A_236 = arith.constant 0 : i32
        %dma_start3A_237 = tpu.memref_slice %arg9[%rem3A_217, %dma_start3A_235, %dma_start3A_236] : memref<8x80x64xf32, #tpu.memory_space<vmem>> -> memref<1x80x64xf32, #tpu.memory_space<vmem>>
        %dma_start3A_238 = tpu.memref_squeeze %dma_start3A_237 : memref<1x80x64xf32, #tpu.memory_space<vmem>> -> memref<80x64xf32, #tpu.memory_space<vmem>>
        %dma_start3A_239 = arith.constant 0 : i32
        %dma_start3A_240 = arith.constant 0 : i32
        %dma_start3A_241 = tpu.memref_slice %arg7[%scan3A_146, %dma_start3A_239, %dma_start3A_240] : memref<1x250x80xi32, #tpu.memory_space<vmem>> -> memref<1x250x80xi32, #tpu.memory_space<vmem>>
        %dma_start3A_242 = tpu.memref_squeeze %dma_start3A_241 : memref<1x250x80xi32, #tpu.memory_space<vmem>> -> memref<250x80xi32, #tpu.memory_space<vmem>>
        %dma_start3A_243 = arith.constant 0 : i32
        %dma_start3A_244 = tpu.memref_slice %dma_start3A_242[%sub3A_234, %dma_start3A_243] : memref<250x80xi32, #tpu.memory_space<vmem>> -> memref<1x80xi32, #tpu.memory_space<vmem>>
        %dma_start3A_245 = tpu.memref_squeeze %dma_start3A_244 : memref<1x80xi32, #tpu.memory_space<vmem>> -> memref<80xi32, #tpu.memory_space<vmem>>
        %dma_start3A_246 = arith.constant 0 : i32
        %dma_start3A_247 = arith.constant 0 : i32
        %dma_start3A_248 = tpu.memref_slice %arg2[%dma_start3A_246, %dma_start3A_247] : memref<20000x64xf32, #tpu.memory_space<hbm>> -> memref<20000x64xf32, #tpu.memory_space<hbm>>
        %dma_start3A_249 = tpu.memref_slice %arg11[%rem3A_217] : memref<8x!tpu.dma_semaphore, #tpu.memory_space<semaphore_mem>> -> memref<1x!tpu.dma_semaphore, #tpu.memory_space<semaphore_mem>>
        %dma_start3A_250 = tpu.memref_squeeze %dma_start3A_249 : memref<1x!tpu.dma_semaphore, #tpu.memory_space<semaphore_mem>> -> memref<!tpu.dma_semaphore, #tpu.memory_space<semaphore_mem>>
        tpu.enqueue_indirect_dma source(%dma_start3A_248 : memref<20000x64xf32, #tpu.memory_space<hbm>>) target(%dma_start3A_238 : memref<80x64xf32, #tpu.memory_space<vmem>>) offsets(%dma_start3A_245 : memref<80xi32, #tpu.memory_space<vmem>>) semaphore(%dma_start3A_250 : memref<!tpu.dma_semaphore, #tpu.memory_space<semaphore_mem>>)
      } else {
      }
    }
    %scan3A_151 = arith.constant 250 : i32
    %rem3A = arith.constant 249 : i32
    %rem3A_152 = arith.constant 8 : i32
    %rem3A_153 = arith.remsi %rem3A, %rem3A_152 : i32
    %dma_wait3A = arith.constant 249 : i32
    %dma_wait3A_154 = arith.constant 0 : i32
    %dma_wait3A_155 = arith.constant 0 : i32
    %dma_wait3A_156 = tpu.memref_slice %arg9[%rem3A_153, %dma_wait3A_154, %dma_wait3A_155] : memref<8x80x64xf32, #tpu.memory_space<vmem>> -> memref<1x80x64xf32, #tpu.memory_space<vmem>>
    %dma_wait3A_157 = tpu.memref_squeeze %dma_wait3A_156 : memref<1x80x64xf32, #tpu.memory_space<vmem>> -> memref<80x64xf32, #tpu.memory_space<vmem>>
    %dma_wait3A_158 = arith.constant 0 : i32
    %dma_wait3A_159 = tpu.memref_slice %arg8[%dma_wait3A, %dma_wait3A_158] : memref<250x80xi32, #tpu.memory_space<vmem>> -> memref<1x80xi32, #tpu.memory_space<vmem>>
    %dma_wait3A_160 = tpu.memref_squeeze %dma_wait3A_159 : memref<1x80xi32, #tpu.memory_space<vmem>> -> memref<80xi32, #tpu.memory_space<vmem>>
    %dma_wait3A_161 = arith.constant 0 : i32
    %dma_wait3A_162 = arith.constant 0 : i32
    %dma_wait3A_163 = tpu.memref_slice %arg10[%dma_wait3A_161, %dma_wait3A_162] : memref<10000x64xf32, #tpu.memory_space<vmem_shared>> -> memref<10000x64xf32, #tpu.memory_space<vmem_shared>>
    %dma_wait3A_164 = tpu.memref_slice %arg12[%rem3A_153] : memref<8x!tpu.dma_semaphore, #tpu.memory_space<semaphore_mem>> -> memref<1x!tpu.dma_semaphore, #tpu.memory_space<semaphore_mem>>
    %dma_wait3A_165 = tpu.memref_squeeze %dma_wait3A_164 : memref<1x!tpu.dma_semaphore, #tpu.memory_space<semaphore_mem>> -> memref<!tpu.dma_semaphore, #tpu.memory_space<semaphore_mem>>
    tpu.wait_indirect_dma semaphore(%dma_wait3A_165 : memref<!tpu.dma_semaphore, #tpu.memory_space<semaphore_mem>>) src(%dma_wait3A_157 : memref<80x64xf32, #tpu.memory_space<vmem>>) dst(%dma_wait3A_163 : memref<10000x64xf32, #tpu.memory_space<vmem_shared>>)
    %barrier3A_166 = arith.constant 0 : index
    tpu.barrier barrier_id(%barrier3A_166)
    %mul3A_167 = arith.constant 1 : i32
    %mul3A_168 = arith.muli %arg0, %mul3A_167 : i32
    %add3A_169 = arith.constant 0 : i32
    %add3A_170 = arith.addi %mul3A_168, %add3A_169 : i32
    %lt3A_171 = arith.constant 15 : i32
    %lt3A_172 = arith.cmpi slt, %arg1, %lt3A_171 : i32
    %convert_element_type3A_173 = arith.extui %lt3A_172 : i1 to i32
    %cond3A_174 = arith.constant 0 : i32
    %cond3A_175 = arith.cmpi ne, %convert_element_type3A_173, %cond3A_174 : i32
    scf.if %cond3A_175 {
      %mul3A_182 = arith.constant 624 : i32
      %mul3A_183 = arith.muli %arg1, %mul3A_182 : i32
      %mul3A_184 = arith.constant 624 : i32
      %mul3A_185 = arith.muli %arg1, %mul3A_184 : i32
      "tpu.region"() ({
        %run_scoped3A = tpu.sem_alloc : memref<!tpu.dma_semaphore, #tpu.memory_space<semaphore_mem>>
        %dma_start3A_186 = arith.constant 0 : i32
        %dma_start3A_187 = arith.constant 0 : i32
        %dma_start3A_188 = tpu.memref_slice %arg6[%add3A_170, %dma_start3A_186, %dma_start3A_187] : memref<2x10000x64xf32, #tpu.memory_space<hbm>> -> memref<1x10000x64xf32, #tpu.memory_space<hbm>>
        %dma_start3A_189 = tpu.memref_squeeze %dma_start3A_188 : memref<1x10000x64xf32, #tpu.memory_space<hbm>> -> memref<10000x64xf32, #tpu.memory_space<hbm>>
        %dma_start3A_190 = arith.constant 0 : i32
        %dma_start3A_191 = tpu.memref_slice %dma_start3A_189[%mul3A_185, %dma_start3A_190] : memref<10000x64xf32, #tpu.memory_space<hbm>> -> memref<624x64xf32, #tpu.memory_space<hbm>>
        %dma_start3A_192 = arith.constant 0 : i32
        %dma_start3A_193 = tpu.memref_slice %arg10[%mul3A_183, %dma_start3A_192] : memref<10000x64xf32, #tpu.memory_space<vmem_shared>> -> memref<624x64xf32, #tpu.memory_space<vmem_shared>>
        tpu.enqueue_dma source(%dma_start3A_193 : memref<624x64xf32, #tpu.memory_space<vmem_shared>>) target(%dma_start3A_191 : memref<624x64xf32, #tpu.memory_space<hbm>>) target_semaphore(%run_scoped3A : memref<!tpu.dma_semaphore, #tpu.memory_space<semaphore_mem>>)
        %dma_wait3A_194 = arith.constant 0 : i32
        %dma_wait3A_195 = arith.constant 0 : i32
        %dma_wait3A_196 = tpu.memref_slice %arg6[%add3A_170, %dma_wait3A_194, %dma_wait3A_195] : memref<2x10000x64xf32, #tpu.memory_space<hbm>> -> memref<1x10000x64xf32, #tpu.memory_space<hbm>>
        %dma_wait3A_197 = tpu.memref_squeeze %dma_wait3A_196 : memref<1x10000x64xf32, #tpu.memory_space<hbm>> -> memref<10000x64xf32, #tpu.memory_space<hbm>>
        %dma_wait3A_198 = arith.constant 0 : i32
        %dma_wait3A_199 = tpu.memref_slice %dma_wait3A_197[%mul3A_185, %dma_wait3A_198] : memref<10000x64xf32, #tpu.memory_space<hbm>> -> memref<624x64xf32, #tpu.memory_space<hbm>>
        %dma_wait3A_200 = arith.constant 0 : i32
        %dma_wait3A_201 = tpu.memref_slice %arg10[%mul3A_183, %dma_wait3A_200] : memref<10000x64xf32, #tpu.memory_space<vmem_shared>> -> memref<624x64xf32, #tpu.memory_space<vmem_shared>>
        tpu.wait_dma2 semaphore(%run_scoped3A : memref<!tpu.dma_semaphore, #tpu.memory_space<semaphore_mem>>) src(%dma_wait3A_201 : memref<624x64xf32, #tpu.memory_space<vmem_shared>>) dst(%dma_wait3A_199 : memref<624x64xf32, #tpu.memory_space<hbm>>)
        tpu.yield
      }) : () -> ()
    } else {
    }
    %eq3A_176 = arith.constant 15 : i32
    %eq3A_177 = arith.cmpi eq, %arg1, %eq3A_176 : i32
    %convert_element_type3A_178 = arith.extui %eq3A_177 : i1 to i32
    %cond3A_179 = arith.constant 0 : i32
    %cond3A_180 = arith.cmpi ne, %convert_element_type3A_178, %cond3A_179 : i32
    scf.if %cond3A_180 {
      "tpu.region"() ({
        %run_scoped3A = tpu.sem_alloc : memref<!tpu.dma_semaphore, #tpu.memory_space<semaphore_mem>>
        %dma_start3A_182 = arith.constant 0 : i32
        %dma_start3A_183 = arith.constant 0 : i32
        %dma_start3A_184 = tpu.memref_slice %arg6[%add3A_170, %dma_start3A_182, %dma_start3A_183] : memref<2x10000x64xf32, #tpu.memory_space<hbm>> -> memref<1x10000x64xf32, #tpu.memory_space<hbm>>
        %dma_start3A_185 = tpu.memref_squeeze %dma_start3A_184 : memref<1x10000x64xf32, #tpu.memory_space<hbm>> -> memref<10000x64xf32, #tpu.memory_space<hbm>>
        %dma_start3A_186 = arith.constant 9360 : i32
        %dma_start3A_187 = arith.constant 0 : i32
        %dma_start3A_188 = tpu.memref_slice %dma_start3A_185[%dma_start3A_186, %dma_start3A_187] : memref<10000x64xf32, #tpu.memory_space<hbm>> -> memref<640x64xf32, #tpu.memory_space<hbm>>
        %dma_start3A_189 = arith.constant 9360 : i32
        %dma_start3A_190 = arith.constant 0 : i32
        %dma_start3A_191 = tpu.memref_slice %arg10[%dma_start3A_189, %dma_start3A_190] : memref<10000x64xf32, #tpu.memory_space<vmem_shared>> -> memref<640x64xf32, #tpu.memory_space<vmem_shared>>
        tpu.enqueue_dma source(%dma_start3A_191 : memref<640x64xf32, #tpu.memory_space<vmem_shared>>) target(%dma_start3A_188 : memref<640x64xf32, #tpu.memory_space<hbm>>) target_semaphore(%run_scoped3A : memref<!tpu.dma_semaphore, #tpu.memory_space<semaphore_mem>>)
        %dma_wait3A_192 = arith.constant 0 : i32
        %dma_wait3A_193 = arith.constant 0 : i32
        %dma_wait3A_194 = tpu.memref_slice %arg6[%add3A_170, %dma_wait3A_192, %dma_wait3A_193] : memref<2x10000x64xf32, #tpu.memory_space<hbm>> -> memref<1x10000x64xf32, #tpu.memory_space<hbm>>
        %dma_wait3A_195 = tpu.memref_squeeze %dma_wait3A_194 : memref<1x10000x64xf32, #tpu.memory_space<hbm>> -> memref<10000x64xf32, #tpu.memory_space<hbm>>
        %dma_wait3A_196 = arith.constant 9360 : i32
        %dma_wait3A_197 = arith.constant 0 : i32
        %dma_wait3A_198 = tpu.memref_slice %dma_wait3A_195[%dma_wait3A_196, %dma_wait3A_197] : memref<10000x64xf32, #tpu.memory_space<hbm>> -> memref<640x64xf32, #tpu.memory_space<hbm>>
        %dma_wait3A_199 = arith.constant 9360 : i32
        %dma_wait3A_200 = arith.constant 0 : i32
        %dma_wait3A_201 = tpu.memref_slice %arg10[%dma_wait3A_199, %dma_wait3A_200] : memref<10000x64xf32, #tpu.memory_space<vmem_shared>> -> memref<640x64xf32, #tpu.memory_space<vmem_shared>>
        tpu.wait_dma2 semaphore(%run_scoped3A : memref<!tpu.dma_semaphore, #tpu.memory_space<semaphore_mem>>) src(%dma_wait3A_201 : memref<640x64xf32, #tpu.memory_space<vmem_shared>>) dst(%dma_wait3A_198 : memref<640x64xf32, #tpu.memory_space<hbm>>)
        tpu.yield
      }) : () -> ()
    } else {
    }
    %barrier3A_181 = arith.constant 0 : index
    tpu.barrier barrier_id(%barrier3A_181)
    return
  }
}

module attributes {stable_mosaic.version = 14 : i64} {
  func.func @body(%arg0: i32, %arg1: memref<1000x128xf32, #tpu.memory_space<vmem>>, %arg2: memref<2x1000x1xf32, #tpu.memory_space<vmem>>, %arg3: memref<2x1000x64xf32, #tpu.memory_space<vmem>>, %arg4: memref<1000x1xf32, #tpu.memory_space<vmem>>) attributes {dimension_semantics = [#tpu.dimension_semantics<arbitrary>], iteration_bounds = array<i64: 10>, scalar_prefetch = 0 : i64, scratch_operands = 0 : i64, tpu.core_type = #tpu.core_type<tc>, window_params = [{transform_indices = @transform_0, window_bounds = array<i64: 1000, 128>}, {transform_indices = @transform_1, window_bounds = array<i64: 2, 1000, 1>}, {transform_indices = @transform_2, window_bounds = array<i64: 2, 1000, 64>}, {transform_indices = @transform_3, window_bounds = array<i64: 1000, 1>}]} {
    %get3A = arith.constant 0 : index
    %get3A_0 = arith.constant 0 : index
    %get3A_1 = arith.constant 0 : index
    %get3A_2 = vector.load %arg2[%get3A, %get3A_0, %get3A_1] : memref<2x1000x1xf32, #tpu.memory_space<vmem>>, vector<1x1000x1xf32>
    %get3A_3 = vector.shape_cast %get3A_2 : vector<1x1000x1xf32> to vector<1000x1xf32>
    %get3A_4 = arith.constant 1 : index
    %get3A_5 = arith.constant 0 : index
    %get3A_6 = arith.constant 0 : index
    %get3A_7 = vector.load %arg2[%get3A_4, %get3A_5, %get3A_6] : memref<2x1000x1xf32, #tpu.memory_space<vmem>>, vector<1x1000x1xf32>
    %get3A_8 = vector.shape_cast %get3A_7 : vector<1x1000x1xf32> to vector<1000x1xf32>
    %add3A = arith.addf %get3A_3, %get3A_8 : vector<1000x1xf32>
    %add3A_9 = arith.constant 1.000000e+00 : f32
    %add3A_10 = vector.broadcast %add3A_9 : f32 to vector<1000x1xf32>
    %add3A_11 = arith.addf %add3A, %add3A_10 : vector<1000x1xf32>
    %rsqrt3A = math.rsqrt %add3A_11 : vector<1000x1xf32>
    %get3A_12 = arith.constant 0 : index
    %get3A_13 = arith.constant 0 : index
    %get3A_14 = vector.load %arg1[%get3A_12, %get3A_13] : memref<1000x128xf32, #tpu.memory_space<vmem>>, vector<1000x128xf32>
    %mul3A = vector.broadcast %rsqrt3A : vector<1000x1xf32> to vector<1000x128xf32>
    %mul3A_15 = arith.mulf %get3A_14, %mul3A : vector<1000x128xf32>
    %slice3A = vector.extract_strided_slice %mul3A_15 {offsets = [0, 0], sizes = [1000, 64], strides = [1, 1]} : vector<1000x128xf32> to vector<1000x64xf32>
    %swap3A = arith.constant 0 : index
    %swap3A_16 = arith.constant 0 : index
    %swap3A_17 = arith.constant 0 : index
    %swap3A_18 = vector.load %arg3[%swap3A, %swap3A_16, %swap3A_17] : memref<2x1000x64xf32, #tpu.memory_space<vmem>>, vector<1x1000x64xf32>
    %swap3A_19 = vector.shape_cast %swap3A_18 : vector<1x1000x64xf32> to vector<1000x64xf32>
    %swap3A_20 = vector.shape_cast %slice3A : vector<1000x64xf32> to vector<1x1000x64xf32>
    tpu.vector_store %arg3[%swap3A, %swap3A_16, %swap3A_17], %swap3A_20 {strides = array<i32>} : memref<2x1000x64xf32, #tpu.memory_space<vmem>>, vector<1x1000x64xf32>,
    %slice3A_21 = vector.extract_strided_slice %mul3A_15 {offsets = [0, 64], sizes = [1000, 64], strides = [1, 1]} : vector<1000x128xf32> to vector<1000x64xf32>
    %swap3A_22 = arith.constant 1 : index
    %swap3A_23 = arith.constant 0 : index
    %swap3A_24 = arith.constant 0 : index
    %swap3A_25 = vector.load %arg3[%swap3A_22, %swap3A_23, %swap3A_24] : memref<2x1000x64xf32, #tpu.memory_space<vmem>>, vector<1x1000x64xf32>
    %swap3A_26 = vector.shape_cast %swap3A_25 : vector<1x1000x64xf32> to vector<1000x64xf32>
    %swap3A_27 = vector.shape_cast %slice3A_21 : vector<1000x64xf32> to vector<1x1000x64xf32>
    tpu.vector_store %arg3[%swap3A_22, %swap3A_23, %swap3A_24], %swap3A_27 {strides = array<i32>} : memref<2x1000x64xf32, #tpu.memory_space<vmem>>, vector<1x1000x64xf32>,
    %swap3A_28 = arith.constant 0 : index
    %swap3A_29 = arith.constant 0 : index
    %swap3A_30 = vector.load %arg4[%swap3A_28, %swap3A_29] : memref<1000x1xf32, #tpu.memory_space<vmem>>, vector<1000x1xf32>
    tpu.vector_store %arg4[%swap3A_28, %swap3A_29], %rsqrt3A {strides = array<i32>} : memref<1000x1xf32, #tpu.memory_space<vmem>>, vector<1000x1xf32>,
    return
  }
  func.func @transform_0(%arg0: i32) -> (i32, i32) {
    %c0_i32 = arith.constant 0 : i32
    %c0_i32_0 = arith.constant 0 : i32
    return %arg0, %c0_i32 : i32, i32
  }
  func.func @transform_1(%arg0: i32) -> (i32, i32, i32) {
    %c0_i32 = arith.constant 0 : i32
    %c0_i32_0 = arith.constant 0 : i32
    %c0_i32_1 = arith.constant 0 : i32
    return %c0_i32, %arg0, %c0_i32_0 : i32, i32, i32
  }
  func.func @transform_2(%arg0: i32) -> (i32, i32, i32) {
    %c0_i32 = arith.constant 0 : i32
    %c0_i32_0 = arith.constant 0 : i32
    %c0_i32_1 = arith.constant 0 : i32
    return %c0_i32, %arg0, %c0_i32_0 : i32, i32, i32
  }
  func.func @transform_3(%arg0: i32) -> (i32, i32) {
    %c0_i32 = arith.constant 0 : i32
    %c0_i32_0 = arith.constant 0 : i32
    return %arg0, %c0_i32 : i32, i32
  }
}

module attributes {stable_mosaic.version = 14 : i64} {
  func.func @body(%arg0: i32, %arg1: memref<2x1000x64xf32, #tpu.memory_space<vmem>>, %arg2: memref<2x1000x64xf32, #tpu.memory_space<vmem>>, %arg3: memref<1000x1xf32, #tpu.memory_space<vmem>>, %arg4: memref<1x256xf32, #tpu.memory_space<vmem>>, %arg5: memref<128x256xf32, #tpu.memory_space<vmem>>, %arg6: memref<256x128xf32, #tpu.memory_space<vmem>>, %arg7: memref<2x1000x64xf32, #tpu.memory_space<vmem>>) attributes {dimension_semantics = [#tpu.dimension_semantics<arbitrary>], iteration_bounds = array<i64: 10>, scalar_prefetch = 0 : i64, scratch_operands = 0 : i64, tpu.core_type = #tpu.core_type<tc>, window_params = [{transform_indices = @transform_0, window_bounds = array<i64: 2, 1000, 64>}, {transform_indices = @transform_1, window_bounds = array<i64: 2, 1000, 64>}, {transform_indices = @transform_2, window_bounds = array<i64: 1000, 1>}, {pipeline_mode = #tpu.pipeline_mode<synchronous>, transform_indices = @transform_3, window_bounds = array<i64: 1, 256>}, {pipeline_mode = #tpu.pipeline_mode<synchronous>, transform_indices = @transform_4, window_bounds = array<i64: 128, 256>}, {pipeline_mode = #tpu.pipeline_mode<synchronous>, transform_indices = @transform_5, window_bounds = array<i64: 256, 128>}, {transform_indices = @transform_6, window_bounds = array<i64: 2, 1000, 64>}]} {
    %get3A = arith.constant 0 : index
    %get3A_0 = arith.constant 0 : index
    %get3A_1 = vector.load %arg3[%get3A, %get3A_0] : memref<1000x1xf32, #tpu.memory_space<vmem>>, vector<1000x1xf32>
    %get3A_2 = arith.constant 0 : index
    %get3A_3 = arith.constant 0 : index
    %get3A_4 = arith.constant 0 : index
    %get3A_5 = vector.load %arg1[%get3A_2, %get3A_3, %get3A_4] : memref<2x1000x64xf32, #tpu.memory_space<vmem>>, vector<1x1000x64xf32>
    %get3A_6 = vector.shape_cast %get3A_5 : vector<1x1000x64xf32> to vector<1000x64xf32>
    %get3A_7 = arith.constant 0 : index
    %get3A_8 = arith.constant 0 : index
    %get3A_9 = arith.constant 0 : index
    %get3A_10 = vector.load %arg2[%get3A_7, %get3A_8, %get3A_9] : memref<2x1000x64xf32, #tpu.memory_space<vmem>>, vector<1x1000x64xf32>
    %get3A_11 = vector.shape_cast %get3A_10 : vector<1x1000x64xf32> to vector<1000x64xf32>
    %add3A = arith.addf %get3A_6, %get3A_11 : vector<1000x64xf32>
    %get3A_12 = arith.constant 1 : index
    %get3A_13 = arith.constant 0 : index
    %get3A_14 = arith.constant 0 : index
    %get3A_15 = vector.load %arg1[%get3A_12, %get3A_13, %get3A_14] : memref<2x1000x64xf32, #tpu.memory_space<vmem>>, vector<1x1000x64xf32>
    %get3A_16 = vector.shape_cast %get3A_15 : vector<1x1000x64xf32> to vector<1000x64xf32>
    %get3A_17 = arith.constant 1 : index
    %get3A_18 = arith.constant 0 : index
    %get3A_19 = arith.constant 0 : index
    %get3A_20 = vector.load %arg2[%get3A_17, %get3A_18, %get3A_19] : memref<2x1000x64xf32, #tpu.memory_space<vmem>>, vector<1x1000x64xf32>
    %get3A_21 = vector.shape_cast %get3A_20 : vector<1x1000x64xf32> to vector<1000x64xf32>
    %add3A_22 = arith.addf %get3A_16, %get3A_21 : vector<1000x64xf32>
    %concatenate3A = tpu.concatenate %add3A, %add3A_22 in 1 : vector<1000x64xf32>, vector<1000x64xf32> -> vector<1000x128xf32>
    %get3A_23 = arith.constant 0 : index
    %get3A_24 = arith.constant 0 : index
    %get3A_25 = vector.load %arg5[%get3A_23, %get3A_24] : memref<128x256xf32, #tpu.memory_space<vmem>>, vector<128x256xf32>
    %dot_general3A = arith.constant dense<0.000000e+00> : vector<1000x256xf32>
    %dot_general3A_26 = tpu.matmul %concatenate3A, %get3A_25, %dot_general3A {dimension_numbers = #tpu.dot_dimension_numbers<[1], [0], [0], [1], [0, 0, 1, 1], [], []>, transpose_lhs_hint = false} : vector<1000x128xf32>, vector<128x256xf32>, vector<1000x256xf32> -> vector<1000x256xf32>
    %mul3A = vector.broadcast %get3A_1 : vector<1000x1xf32> to vector<1000x256xf32>
    %mul3A_27 = arith.mulf %mul3A, %dot_general3A_26 : vector<1000x256xf32>
    %get3A_28 = arith.constant 0 : index
    %get3A_29 = arith.constant 0 : index
    %get3A_30 = vector.load %arg4[%get3A_28, %get3A_29] : memref<1x256xf32, #tpu.memory_space<vmem>>, vector<1x256xf32>
    %add3A_31 = vector.broadcast %get3A_30 : vector<1x256xf32> to vector<1000x256xf32>
    %add3A_32 = arith.addf %mul3A_27, %add3A_31 : vector<1000x256xf32>
    %max3A = arith.constant 0.000000e+00 : f32
    %max3A_33 = vector.broadcast %max3A : f32 to vector<1000x256xf32>
    %max3A_34 = arith.maximumf %add3A_32, %max3A_33 : vector<1000x256xf32>
    %mul3A_35 = vector.broadcast %get3A_1 : vector<1000x1xf32> to vector<1000x256xf32>
    %mul3A_36 = arith.mulf %mul3A_35, %max3A_34 : vector<1000x256xf32>
    %get3A_37 = arith.constant 0 : index
    %get3A_38 = arith.constant 0 : index
    %get3A_39 = vector.load %arg6[%get3A_37, %get3A_38] : memref<256x128xf32, #tpu.memory_space<vmem>>, vector<256x128xf32>
    %dot_general3A_40 = arith.constant dense<0.000000e+00> : vector<1000x128xf32>
    %dot_general3A_41 = tpu.matmul %mul3A_36, %get3A_39, %dot_general3A_40 {dimension_numbers = #tpu.dot_dimension_numbers<[1], [0], [0], [1], [0, 0, 1, 1], [], []>, transpose_lhs_hint = false} : vector<1000x256xf32>, vector<256x128xf32>, vector<1000x128xf32> -> vector<1000x128xf32>
    %slice3A = vector.extract_strided_slice %dot_general3A_41 {offsets = [0, 0], sizes = [1000, 64], strides = [1, 1]} : vector<1000x128xf32> to vector<1000x64xf32>
    %swap3A = arith.constant 0 : index
    %swap3A_42 = arith.constant 0 : index
    %swap3A_43 = arith.constant 0 : index
    %swap3A_44 = vector.load %arg7[%swap3A, %swap3A_42, %swap3A_43] : memref<2x1000x64xf32, #tpu.memory_space<vmem>>, vector<1x1000x64xf32>
    %swap3A_45 = vector.shape_cast %swap3A_44 : vector<1x1000x64xf32> to vector<1000x64xf32>
    %swap3A_46 = vector.shape_cast %slice3A : vector<1000x64xf32> to vector<1x1000x64xf32>
    tpu.vector_store %arg7[%swap3A, %swap3A_42, %swap3A_43], %swap3A_46 {strides = array<i32>} : memref<2x1000x64xf32, #tpu.memory_space<vmem>>, vector<1x1000x64xf32>,
    %slice3A_47 = vector.extract_strided_slice %dot_general3A_41 {offsets = [0, 64], sizes = [1000, 64], strides = [1, 1]} : vector<1000x128xf32> to vector<1000x64xf32>
    %swap3A_48 = arith.constant 1 : index
    %swap3A_49 = arith.constant 0 : index
    %swap3A_50 = arith.constant 0 : index
    %swap3A_51 = vector.load %arg7[%swap3A_48, %swap3A_49, %swap3A_50] : memref<2x1000x64xf32, #tpu.memory_space<vmem>>, vector<1x1000x64xf32>
    %swap3A_52 = vector.shape_cast %swap3A_51 : vector<1x1000x64xf32> to vector<1000x64xf32>
    %swap3A_53 = vector.shape_cast %slice3A_47 : vector<1000x64xf32> to vector<1x1000x64xf32>
    tpu.vector_store %arg7[%swap3A_48, %swap3A_49, %swap3A_50], %swap3A_53 {strides = array<i32>} : memref<2x1000x64xf32, #tpu.memory_space<vmem>>, vector<1x1000x64xf32>,
    return
  }
  func.func @transform_0(%arg0: i32) -> (i32, i32, i32) {
    %c0_i32 = arith.constant 0 : i32
    %c0_i32_0 = arith.constant 0 : i32
    %c0_i32_1 = arith.constant 0 : i32
    return %c0_i32, %arg0, %c0_i32_0 : i32, i32, i32
  }
  func.func @transform_1(%arg0: i32) -> (i32, i32, i32) {
    %c0_i32 = arith.constant 0 : i32
    %c0_i32_0 = arith.constant 0 : i32
    %c0_i32_1 = arith.constant 0 : i32
    return %c0_i32, %arg0, %c0_i32_0 : i32, i32, i32
  }
  func.func @transform_2(%arg0: i32) -> (i32, i32) {
    %c0_i32 = arith.constant 0 : i32
    %c0_i32_0 = arith.constant 0 : i32
    return %arg0, %c0_i32 : i32, i32
  }
  func.func @transform_3(%arg0: i32) -> (i32, i32) {
    %c0_i32 = arith.constant 0 : i32
    %c0_i32_0 = arith.constant 0 : i32
    %c0_i32_1 = arith.constant 0 : i32
    return %c0_i32, %c0_i32_0 : i32, i32
  }
  func.func @transform_4(%arg0: i32) -> (i32, i32) {
    %c0_i32 = arith.constant 0 : i32
    %c0_i32_0 = arith.constant 0 : i32
    %c0_i32_1 = arith.constant 0 : i32
    return %c0_i32, %c0_i32_0 : i32, i32
  }
  func.func @transform_5(%arg0: i32) -> (i32, i32) {
    %c0_i32 = arith.constant 0 : i32
    %c0_i32_0 = arith.constant 0 : i32
    %c0_i32_1 = arith.constant 0 : i32
    return %c0_i32, %c0_i32_0 : i32, i32
  }
  func.func @transform_6(%arg0: i32) -> (i32, i32, i32) {
    %c0_i32 = arith.constant 0 : i32
    %c0_i32_0 = arith.constant 0 : i32
    %c0_i32_1 = arith.constant 0 : i32
    return %c0_i32, %arg0, %c0_i32_0 : i32, i32, i32
  }
}

module attributes {stable_mosaic.version = 14 : i64} {
  func.func @body(%arg0: i32, %arg1: memref<2x1000x64xf32, #tpu.memory_space<vmem>>, %arg2: memref<2x1000x64xf32, #tpu.memory_space<vmem>>, %arg3: memref<1000x1xf32, #tpu.memory_space<vmem>>, %arg4: memref<1x128xf32, #tpu.memory_space<vmem>>, %arg5: memref<1000x128xf32, #tpu.memory_space<vmem>>) attributes {dimension_semantics = [#tpu.dimension_semantics<arbitrary>], iteration_bounds = array<i64: 10>, scalar_prefetch = 0 : i64, scratch_operands = 0 : i64, tpu.core_type = #tpu.core_type<tc>, window_params = [{transform_indices = @transform_0, window_bounds = array<i64: 2, 1000, 64>}, {transform_indices = @transform_1, window_bounds = array<i64: 2, 1000, 64>}, {transform_indices = @transform_2, window_bounds = array<i64: 1000, 1>}, {pipeline_mode = #tpu.pipeline_mode<synchronous>, transform_indices = @transform_3, window_bounds = array<i64: 1, 128>}, {transform_indices = @transform_4, window_bounds = array<i64: 1000, 128>}]} {
    %get3A = arith.constant 0 : index
    %get3A_0 = arith.constant 0 : index
    %get3A_1 = vector.load %arg3[%get3A, %get3A_0] : memref<1000x1xf32, #tpu.memory_space<vmem>>, vector<1000x1xf32>
    %get3A_2 = arith.constant 0 : index
    %get3A_3 = arith.constant 0 : index
    %get3A_4 = vector.load %arg4[%get3A_2, %get3A_3] : memref<1x128xf32, #tpu.memory_space<vmem>>, vector<1x128xf32>
    %get3A_5 = arith.constant 0 : index
    %get3A_6 = arith.constant 0 : index
    %get3A_7 = arith.constant 0 : index
    %get3A_8 = vector.load %arg1[%get3A_5, %get3A_6, %get3A_7] : memref<2x1000x64xf32, #tpu.memory_space<vmem>>, vector<1x1000x64xf32>
    %get3A_9 = vector.shape_cast %get3A_8 : vector<1x1000x64xf32> to vector<1000x64xf32>
    %get3A_10 = arith.constant 0 : index
    %get3A_11 = arith.constant 0 : index
    %get3A_12 = arith.constant 0 : index
    %get3A_13 = vector.load %arg2[%get3A_10, %get3A_11, %get3A_12] : memref<2x1000x64xf32, #tpu.memory_space<vmem>>, vector<1x1000x64xf32>
    %get3A_14 = vector.shape_cast %get3A_13 : vector<1x1000x64xf32> to vector<1000x64xf32>
    %add3A = arith.addf %get3A_9, %get3A_14 : vector<1000x64xf32>
    %mul3A = vector.broadcast %get3A_1 : vector<1000x1xf32> to vector<1000x64xf32>
    %mul3A_15 = arith.mulf %mul3A, %add3A : vector<1000x64xf32>
    %slice3A = vector.extract_strided_slice %get3A_4 {offsets = [0, 0], sizes = [1, 64], strides = [1, 1]} : vector<1x128xf32> to vector<1x64xf32>
    %add3A_16 = vector.broadcast %slice3A : vector<1x64xf32> to vector<1000x64xf32>
    %add3A_17 = arith.addf %mul3A_15, %add3A_16 : vector<1000x64xf32>
    %max3A = arith.constant 0.000000e+00 : f32
    %max3A_18 = vector.broadcast %max3A : f32 to vector<1000x64xf32>
    %max3A_19 = arith.maximumf %add3A_17, %max3A_18 : vector<1000x64xf32>
    %swap3A = arith.constant 0 : index
    %swap3A_20 = arith.constant 0 : index
    %swap3A_21 = vector.load %arg5[%swap3A, %swap3A_20] : memref<1000x128xf32, #tpu.memory_space<vmem>>, vector<1000x64xf32>
    tpu.vector_store %arg5[%swap3A, %swap3A_20], %max3A_19 {strides = array<i32>} : memref<1000x128xf32, #tpu.memory_space<vmem>>, vector<1000x64xf32>,
    %get3A_22 = arith.constant 1 : index
    %get3A_23 = arith.constant 0 : index
    %get3A_24 = arith.constant 0 : index
    %get3A_25 = vector.load %arg1[%get3A_22, %get3A_23, %get3A_24] : memref<2x1000x64xf32, #tpu.memory_space<vmem>>, vector<1x1000x64xf32>
    %get3A_26 = vector.shape_cast %get3A_25 : vector<1x1000x64xf32> to vector<1000x64xf32>
    %get3A_27 = arith.constant 1 : index
    %get3A_28 = arith.constant 0 : index
    %get3A_29 = arith.constant 0 : index
    %get3A_30 = vector.load %arg2[%get3A_27, %get3A_28, %get3A_29] : memref<2x1000x64xf32, #tpu.memory_space<vmem>>, vector<1x1000x64xf32>
    %get3A_31 = vector.shape_cast %get3A_30 : vector<1x1000x64xf32> to vector<1000x64xf32>
    %add3A_32 = arith.addf %get3A_26, %get3A_31 : vector<1000x64xf32>
    %mul3A_33 = vector.broadcast %get3A_1 : vector<1000x1xf32> to vector<1000x64xf32>
    %mul3A_34 = arith.mulf %mul3A_33, %add3A_32 : vector<1000x64xf32>
    %slice3A_35 = vector.extract_strided_slice %get3A_4 {offsets = [0, 64], sizes = [1, 64], strides = [1, 1]} : vector<1x128xf32> to vector<1x64xf32>
    %add3A_36 = vector.broadcast %slice3A_35 : vector<1x64xf32> to vector<1000x64xf32>
    %add3A_37 = arith.addf %mul3A_34, %add3A_36 : vector<1000x64xf32>
    %max3A_38 = arith.constant 0.000000e+00 : f32
    %max3A_39 = vector.broadcast %max3A_38 : f32 to vector<1000x64xf32>
    %max3A_40 = arith.maximumf %add3A_37, %max3A_39 : vector<1000x64xf32>
    %swap3A_41 = arith.constant 0 : index
    %swap3A_42 = arith.constant 64 : index
    %swap3A_43 = vector.load %arg5[%swap3A_41, %swap3A_42] : memref<1000x128xf32, #tpu.memory_space<vmem>>, vector<1000x64xf32>
    tpu.vector_store %arg5[%swap3A_41, %swap3A_42], %max3A_40 {strides = array<i32>} : memref<1000x128xf32, #tpu.memory_space<vmem>>, vector<1000x64xf32>,
    return
  }
  func.func @transform_0(%arg0: i32) -> (i32, i32, i32) {
    %c0_i32 = arith.constant 0 : i32
    %c0_i32_0 = arith.constant 0 : i32
    %c0_i32_1 = arith.constant 0 : i32
    return %c0_i32, %arg0, %c0_i32_0 : i32, i32, i32
  }
  func.func @transform_1(%arg0: i32) -> (i32, i32, i32) {
    %c0_i32 = arith.constant 0 : i32
    %c0_i32_0 = arith.constant 0 : i32
    %c0_i32_1 = arith.constant 0 : i32
    return %c0_i32, %arg0, %c0_i32_0 : i32, i32, i32
  }
  func.func @transform_2(%arg0: i32) -> (i32, i32) {
    %c0_i32 = arith.constant 0 : i32
    %c0_i32_0 = arith.constant 0 : i32
    return %arg0, %c0_i32 : i32, i32
  }
  func.func @transform_3(%arg0: i32) -> (i32, i32) {
    %c0_i32 = arith.constant 0 : i32
    %c0_i32_0 = arith.constant 0 : i32
    %c0_i32_1 = arith.constant 0 : i32
    return %c0_i32, %c0_i32_0 : i32, i32
  }
  func.func @transform_4(%arg0: i32) -> (i32, i32) {
    %c0_i32 = arith.constant 0 : i32
    %c0_i32_0 = arith.constant 0 : i32
    return %arg0, %c0_i32 : i32, i32
  }
}

</mosaic_0001>

<sc_bundles>
// kernel: kernel.11.cloned.1.call-start
scs
__scs_entry_jumppad:
0x0: {  	(pc) =	sbr.rel $0x88, $3  }
0x1: {  	(tag) =	ssettag $0x0;
	lr =	simm.s32 $0x1  }
0x2: {  	[smem:$0x3F9B] =	sst lr;
	_ =	strace $0xD0000000  }
0x3: {  	_ = 	snop  }
0x4: {  	_ = 	snop  }
0x5: {  	_ = 	snop  }
0x6: {  	_ = 	snop  }
0x7: {  	_ = 	snop  }
__scs_overlays_trampoline_lowered:
0x8: {  	[smem:$0x3FAA] =	sst s0  }
0x9: {  	[smem:$0x3FAB] =	sst s1  }
0xa: {  	[smem:$0x3FAC] =	sst s2  }
0xb: {  	[smem:$0x3FAD] =	sst s3  }
0xc: {  	[smem:$0x3FAE] =	sst s4  }
0xd: {  	[smem:$0x3FAF] =	sst s5  }
0xe: {  	[smem:$0x3FB0] =	sst s6  }
0xf: {  	[smem:$0x3FB1] =	sst s7  }
0x10: {  	[smem:$0x3FB2] =	sst s8  }
0x11: {  	[smem:$0x3FB3] =	sst s9;
	s0 =	simm.s32 @!p0 $0x0  }
0x12: {  	s1 =	sld [smem:$0x3F99];
	s0 =	simm.s32 @p0 $0x1  }
0x13: {  	[smem:$0x3FB4] =	sst s0;
	s0 =	simm.s32 @!p1 $0x0  }
0x14: {  	s2 =	sld [smem:$0x3F98];
	s0 =	simm.s32 @p1 $0x1  }
0x15: {  	[smem:$0x3FB5] =	sst s0;
	s0 =	simm.s32 @!p2 $0x0  }
0x16: {  	s3 =	sld [smem:$0x3FDB];
	s0 =	simm.s32 @p2 $0x1  }
0x17: {  	s4 =	simm.s32 $0x1BF5;
	[smem:$0x3FB7] =	sst s0  }
0x18: {  	s0 =	sld [smem:$0x3F9A];
	_ =	swait.ge [sflag:s4], $0x0  }
0x19: {  	s7 =	sld [smem:$0x3F9B]  }
0x1a: {  	s8 =	sadd.s32 $0xFFFFE003, lr  }
0x1b: {  	s9 =	sadd.s32 $0xFFFFFEF7, lr;
	s5 =	simm.s32 $0xFFFFFFFF;
	p2 =	slt.u32 s8, $0xFFFFF086  }
0x1c: {  	p1 =	slt.u32 s9, $0xF7A;
	s5 =	simm.s32 @!p2 $0x0  }
0x1d: {  	s5 =	simm.s32 @p1 $0x1;
	p0 =	seq.s32 s7, s2  }
0x1e: {  	s7 =	smul.u32 @!p0 $0xF7A, s2;
	p2 =	seq.s32 @!p0 s5, $0x0  }
0x1f: {  	s9 =	smul.u32 $0xF7A, s1;
	s8 =	simm.s32 @!p0 $0x1BF5;
	p2 =	por !p2, p0  }
0x20: {  	[sflag:s8] =	ssyncset.s32 @!p0 $0xFFFFF086;
	s6 =	sadd.s32 @!p0 s3, s7;
	s7 =	simm.s32 @!p0 $0x108  }
0x21: {  	s3 =	sadd.s32 s3, s9;
	s6 =	sadd.s32 @!p0 $0x88, s6;
	s7 =	simm.s32 @p2 $0x1082  }
0x22: {  	[simem:s7], [sflag:s8] =	dma.local @!p0 [hbm:s6], $0xF7A  }
0x23: {  	s9 =	sor.u32 $0xD0000000, s2;
	s6 =	simm.s32 $0x108;
	_ =	swait.ge @!p0 [sflag:s8], $0x0  }
0x24: {  	s3 =	sadd.s32 $0x88, s3;
	s6 =	simm.s32 @!p1 $0x1082;
	[sflag:s4] =	ssyncset.s32 $0xFFFFF086  }
0x25: {  	[simem:s6], [sflag:s4] =	dma.local [hbm:s3], $0xF7A  }
0x26: {  	[smem:$0x3F9B] =	sst s1;
	(tag) =	ssettag s2;
	_ =	strace s9  }
0x27: {  	s1 =	sld [smem:$0x3FAB]  }
0x28: {  	s2 =	sld [smem:$0x3FAC]  }
0x29: {  	s4 =	sld [smem:$0x3FAE]  }
0x2a: {  	p0 =	seq.s32 s5, $0x0;
	s5 =	sld [smem:$0x3FAF]  }
0x2b: {  	s6 =	sld [smem:$0x3FB0]  }
0x2c: {  	s7 =	sld [smem:$0x3FB1]  }
0x2d: {  	s3 =	simm.s32 $0x108;
	s8 =	sld [smem:$0x3FB2]  }
0x2e: {  	s3 =	simm.s32 @!p0 $0x1082;
	s9 =	sld [smem:$0x3FB3]  }
0x2f: {  	lr =	sadd.s32 s0, s3;
	s0 =	sld [smem:$0x3FAA]  }
0x30: {  	s3 =	sld [smem:$0x3FAD]  }
0x31: {  	[smem:$0x3FB6] =	sst s10  }
0x32: {  	s10 =	sld [smem:$0x3FB4];
	_ =	sdelay $0x3  }
0x33: {  	p0 =	seq.s32 s10, $0x1;
	s10 =	sld [smem:$0x3FB6];
	_ =	sdelay $0x3  }
0x34: {  	[smem:$0x3FB6] =	sst s10  }
0x35: {  	s10 =	sld [smem:$0x3FB5];
	_ =	sdelay $0x3  }
0x36: {  	p1 =	seq.s32 s10, $0x1;
	s10 =	sld [smem:$0x3FB6];
	_ =	sdelay $0x3  }
0x37: {  	[smem:$0x3FB6] =	sst s10  }
0x38: {  	s10 =	sld [smem:$0x3FB7]  }
0x39: {  	_ = 	snop;
	(pc) =	sbr.ind lr, $3  }
0x3a: {  	_ = 	snop  }
0x3b: {  	_ = 	snop  }
0x3c: {  	p2 =	seq.s32 s10, $0x1;
	s10 =	sld [smem:$0x3FB6]  }
0x3d: {  	_ =	shalt  }
0x3e: {  	_ =	shalt  }
0x3f: {  	_ =	shalt  }
0x40: {  	_ =	shalt  }
0x41: {  	_ =	shalt  }
0x42: {  	_ =	shalt  }
0x43: {  	_ =	shalt  }
0x44: {  	_ =	shalt  }
0x45: {  	_ =	shalt  }
0x46: {  	_ =	shalt  }
0x47: {  	_ =	shalt  }
0x48: {  	_ =	shalt  }
0x49: {  	_ =	shalt  }
0x4a: {  	_ =	shalt  }
0x4b: {  	_ =	shalt  }
0x4c: {  	_ =	shalt  }
0x4d: {  	_ =	shalt  }
0x4e: {  	_ =	shalt  }
0x4f: {  	_ =	shalt  }
0x50: {  	_ =	shalt  }
0x51: {  	_ =	shalt  }
0x52: {  	_ =	shalt  }
0x53: {  	_ =	shalt  }
0x54: {  	_ =	shalt  }
0x55: {  	_ =	shalt  }
0x56: {  	_ =	shalt  }
0x57: {  	_ =	shalt  }
0x58: {  	_ =	shalt  }
0x59: {  	_ =	shalt  }
0x5a: {  	_ =	shalt  }
0x5b: {  	_ =	shalt  }
0x5c: {  	_ =	shalt  }
0x5d: {  	_ =	shalt  }
0x5e: {  	_ =	shalt  }
0x5f: {  	_ =	shalt  }
0x60: {  	_ =	shalt  }
0x61: {  	_ =	shalt  }
0x62: {  	_ =	shalt  }
0x63: {  	_ =	shalt  }
0x64: {  	_ =	shalt  }
0x65: {  	_ =	shalt  }
0x66: {  	_ =	shalt  }
0x67: {  	_ =	shalt  }
0x68: {  	_ =	shalt  }
0x69: {  	_ =	shalt  }
0x6a: {  	_ =	shalt  }
0x6b: {  	_ =	shalt  }
0x6c: {  	_ =	shalt  }
0x6d: {  	_ =	shalt  }
0x6e: {  	_ =	shalt  }
0x6f: {  	_ =	shalt  }
0x70: {  	_ =	shalt  }
0x71: {  	_ =	shalt  }
0x72: {  	_ =	shalt  }
0x73: {  	_ =	shalt  }
0x74: {  	_ =	shalt  }
0x75: {  	_ =	shalt  }
0x76: {  	_ =	shalt  }
0x77: {  	_ =	shalt  }
0x78: {  	_ =	shalt  }
0x79: {  	_ =	shalt  }
0x7a: {  	_ =	shalt  }
0x7b: {  	_ =	shalt  }
0x7c: {  	_ =	shalt  }
0x7d: {  	_ =	shalt  }
0x7e: {  	_ =	shalt  }
0x7f: {  	_ =	shalt  }
0x80: {  	_ =	shalt  }
0x81: {  	_ =	shalt  }
0x82: {  	_ =	shalt  }
0x83: {  	_ =	shalt  }
0x84: {  	_ =	shalt  }
0x85: {  	_ =	shalt  }
0x86: {  	_ =	shalt  }
0x87: {  	_ =	shalt  }
.Lfunc_end0:
.L_simem_size_0:
called_computation.1_lowered:
.L_overlay_start_0:
0x88: {  	s2 =	sld [smem:$0x3FD9]  }
0x89: {  	s3 =	sld [smem:$0x3FFE];
	_ =	sdelay $0x1  }
0x8a: {  	s1 =	srdreg.scid  }
0x8b: {  	s0 =	sand.u32 $0x1, s1  }
0x8c: {  	s17 =	sshll.u32 s0, $0xA;
	s2 =	sadd.s32 s3, s2  }
0x8d: {  	s2 =	sadd.s32 s2, s17  }
0x8e: {  	[smem:$0x3FC2] =	sst s2  }
0x8f: {  	_ = 	snop  }
0x90: {  	s2 =	sld [smem:$0x3FD0];
	(tm) =	ssettm $0x1  }
0x91: {  	s18 =	sld [smem:$0x3FFB];
	_ =	sdelay $0x3  }
0x92: {  	_ =	strace s18  }
0x93: {  	s3 =	sld [smem:$0x3FFC];
	_ =	sdelay $0x3  }
0x94: {  	_ =	strace s3  }
0x95: {  	s3 =	sld [smem:$0x3FFD];
	_ =	sdelay $0x3  }
0x96: {  	_ =	strace s3  }
0x97: {  	_ =	strace $0x8FFFFFFF  }
0x98: {  	s19 =	sld [smem:$0x3FDB];
	_ =	sdelay $0x1  }
0x99: {  	s4 =	simm.s32 $_scs_section_size  }
0x9a: {  	s5 =	simm.s32 $_size__tile_overlayer_lowered;
	s6 =	simm.s32 $_tile_overlayer_lowered  }
0x9b: {  	s22 =	simm.s32 $0x1BFF;
	s21 =	sshll.u32 s6, $0x1;
	s3 =	sadd.s32 s4, s19  }
0x9c: {  	s7 =	simm.s32 $0x0;
	s20 =	sshll.u32 s5, $0x1;
	s5 =	sadd.s32 s21, s3  }
0x9d: {  	[timem:s7], [sflag:s22] =	dma.local [hbm:s5], s20  }
0x9e: {  	_ =	swait.ge [sflag:s22], s20  }
0x9f: {  	s4 =	ssub.s32 $0x0, s20;
	[sflag:s22] =	ssyncset.done $0x0  }
0xa0: {  	[sflag:s22] =	ssyncadd.s32 s4;
	_ =	sdelay $0x1  }
0xa1: {  	s23 =	simm.s32 $0x1B8B  }
0xa2: {  	_ =	swait.ge [sflag:s23], $0x1  }
0xa3: {  	[sflag:s23] =	ssyncset.done $0x0  }
0xa4: {  	s25 =	simm.s32 $0x1B8E;
	s24 =	sld [smem:$0x3FFE];
	[sflag:s23] =	ssyncadd.s32 $0xFFFFFFFF  }
0xa5: {  	s26 =	simm.s32 $execute0_lowered;
	[smem:$0x3FD2] =	sst s25  }
0xa6: {  	s5 =	sshll.u32 s26, $0x1;
	_ =	strace $0x80000049;
	[dreg:$0x1] =	wrdreg $0xFFFFFFFF  }
0xa7: {  	s28 =	simm.s32 $_size_execute0_lowered;
	s3 =	sadd.s32 s3, s5;
	[dreg:$0x0] =	wrdreg $0x0  }
0xa8: {  	s5 =	sshll.u32 s28, $0x1;
	[dreg:$0x2] =	wrdreg s3  }
0xa9: {  	[dreg:$0x3] =	wrdreg s5  }
0xaa: {  	[dreg:$0x4] =	wrdreg $0xC0  }
0xab: {  	_ =	task [dreg:s7], $0x5FFFF  }
0xac: {  	[dreg:$0x1] =	wrdreg $0xFFFFFFFF  }
0xad: {  	[dreg:$0x0] =	wrdreg $0x60  }
0xae: {  	[dreg:$0x2] =	wrdreg s2  }
0xaf: {  	[dreg:$0x3] =	wrdreg s24  }
0xb0: {  	[dreg:$0x4] =	wrdreg $0x13C400  }
0xb1: {  	[dreg:$0x5] =	wrdreg $0x9  }
0xb2: {  	_ =	task.clear_ibuf [dreg:s7], $0x6FFFF;
	_ =	strace $0x90000049  }
0xb3: {  	s29 =	simm.s32 $0x9;
	_ =	strace $0x8000004B  }
0xb4: {  	_ =	swait.ge [sflag:s29], $0x1  }
0xb5: {  	[sflag:s29] =	ssyncadd.s32 $0xFFFFFFFF  }
0xb6: {  	_ =	strace $0x9000004B  }
0xb7: {  	_ =	sfence  }
0xb8: {  	s30 =	sld [smem:$0x0];
	_ =	sdelay $0x2  }
0xb9: {  	s31 =	sshll.u32 s1, $0xD;
	s1 =	sshrl.u32 s1, $0x2  }
0xba: {  	s3 =	sand.u32 $0x4000, s31;
	s1 =	sadd.s32 s1, s30  }
0xbb: {  	s0 =	sor.u32 s3, s0;
	s1 =	sshll.u32 s1, $0x11  }
0xbc: {  	s0 =	sor.u32 s1, s0  }
0xbd: {  	s0 =	sadd.s32 $0x8F2B, s0  }
0xbe: {  	[sflag:s0] =	ssyncadd.remote.s32 $0x1  }
0xbf: {  	_ =	sfence.sel $0xFFFF  }
0xc0: {  	[dreg:$0x0] =	wrdreg $0xFFFFFFFF;
	(pc) =	sbr.abs _section_cstart, $3  }
0xc1: {  	[dreg:$0x1] =	wrdreg $0xFFFFFFFF  }
0xc2: {  	_ =	task.clear_ibuf [dreg:s7], $0x2FFFF;
	_ =	strace $0x9FFFFFFF  }
0xc3: {  	(tm) =	ssettm $0x7FFFFFFF  }
tec
execute0_lowered:
.L_overlay_start_1:
0x0: {  	(tag) =	ssettag $0x1  }
0x1: {  	s1 =	rddreg [dreg:$0x0]  }
0x2: {  	s0 =	srdreg.scid;
	s2 =	rddreg [dreg:$0x1]  }
0x3: {  	s15 =	stileid.u32;
	s3 =	rddreg [dreg:$0x2];
	s12 =	simm.s32 $0x4E20  }
0x4: {  	s13 =	simm.s32 $0x11;
	s17 =	simm.s32 $0x50;
	s18 =	simm.s32 $0x9C40  }
0x5: {  	s31 =	simm.s32 $0x1;
	s19 =	simm.s32 $0xA;
	s20 =	simm.s32 $0x0  }
0x6: {  	s0 =	sand.u32 $0x1, s0;
	s8 =	smul.u32 $0x9C00, s15;
	s14 =	sadd.s32 $0x92400, s3  }
0x7: {  	p0 =	seq.s32 s15, $0xF;
	s4 =	sshll.u32 s0, $0x4;
	s6 =	smul.u32 $0x13880, s0  }
0x8: {  	s0 =	ssub.s32 $0x2, s0;
	s14 =	sshrl.u32 @p0 s14, $0x3;
	s5 =	sor.u32 s15, s4  }
0x9: {  	s4 =	simm.s32 $0x0;
	s9 =	sshrl.u32 s0, $0x1;
	s5 =	smul.u32 $0x9C4, s5  }
0xa: {  	s16 =	sadd.s32 s8, s3;
	[smem:$0x7FF] =	sst s4;
	s11 =	sadd.s32 s6, s2  }
0xb: {  	s0 =	ssub.s32 s0, s9;
	s7 =	sadd.s32 s5, s2;
	s5 =	sshrl.u32 s8, $0x3  }
0xc: {  	s9 =	sadd.s32 $0x8A680, s2;
	s16 =	sshrl.u32 @!p0 s16, $0x3;
	s10 =	sadd.s32 s5, s2  }
0xd: {  	_ =	strace $0x8000004A;
	s6 =	sadd.s32 $0x16600, s7;
	s8 =	sadd.s32 $0x78200, s10  }
0xe: {  	s10 =	sadd.s32 $0x8BC00, s11;
	s11 =	smax.u32 s0, $0x1;
	s0 =	sshll.u32 @!p0 s15, $0x6  }
0xf: {  	s7 =	sadd.s32 $0x2C00, s7;
	s15 =	sor.u32 @!p0 $0x1C11, s0;
	s0 =	simm.s32 $0x12840  }
.LBB2_1:
0x10: {  	[tilespmem:s12], [sflag:$0x11] =	stream.linear.gather [hbm4b:s6+s4], $0x4E20, $0x38;
	[tilespmem:$0x1D880] =	vst v63  }
0x11: {  	_ =	swait.ge [sflag:s13], $0x4E20  }
0x12: {  	[sflag:s13] =	ssyncset.done $0x0  }
0x13: {  	[sflag:s13] =	ssyncadd.s32 $0xFFFFB1E0  }
0x14: {  	[tilespmem:s4], [sflag:$0x11] =	stream.linear.gather [hbm4b:s7+s4], $0x4E20, $0x38;
	[tilespmem:$0x1D880] =	vst v63  }
0x15: {  	_ =	swait.ge [sflag:s13], $0x4E20  }
0x16: {  	[sflag:s13] =	ssyncset.done $0x0  }
0x17: {  	s21 =	simm.s32 @p0 $0x1FD1;
	[sflag:s13] =	ssyncadd.s32 $0xFFFFB1E0  }
0x18: {  	[spmem:s14], [sflag:s21] =	dma.local @p0 [hbm:s9], $0x1400  }
0x19: {  	s21 =	simm.s32 @p0 $0x11  }
0x1a: {  	_ =	swait.ge @p0 [sflag:s21], $0x1400  }
0x1b: {  	[sflag:s21] =	ssyncset.done @p0 $0x0  }
0x1c: {  	[sflag:s21] =	ssyncadd.s32 @p0 $0xFFFFEC00;
	s21 =	simm.s32 @!p0 $0x11  }
0x1d: {  	[spmem:s16], [sflag:s15] =	dma.local @!p0 [hbm:s8], $0x1380  }
0x1e: {  	_ =	swait.ge @!p0 [sflag:s21], $0x1380  }
0x1f: {  	[sflag:s21] =	ssyncset.done @!p0 $0x0  }
0x20: {  	[sflag:s21] =	ssyncadd.s32 @!p0 $0xFFFFEC80  }
0x21: {  	[bflag:$0x0] =	sbarrier.arrive $0xFFFF  }
0x22: {  	[tilespmem:s18], [sflag:$0x1] =	stream.indirect.gather [hbm4b:s1+s17], $0x40, s4, s17, $0xb8;
	[tilespmem:$0x1D880] =	vst v63  }
0x23: {  	s2 =	simm.s32 $0xB040  }
0x24: {  	[tilespmem:s2], [sflag:$0x2] =	stream.indirect.gather [hbm4b:s1+s17], $0x40, s17, s17, $0xb8;
	[tilespmem:$0x1D880] =	vst v63  }
0x25: {  	s23 =	simm.s32 $0xA0;
	s24 =	simm.s32 $0xC440  }
0x26: {  	[tilespmem:s24], [sflag:$0x3] =	stream.indirect.gather [hbm4b:s1+s17], $0x40, s23, s17, $0xb8;
	[tilespmem:$0x1D880] =	vst v63  }
0x27: {  	s25 =	simm.s32 $0xF0;
	s26 =	simm.s32 $0xD840  }
0x28: {  	[tilespmem:s26], [sflag:$0x4] =	stream.indirect.gather [hbm4b:s1+s17], $0x40, s25, s17, $0xb8;
	[tilespmem:$0x1D880] =	vst v63  }
0x29: {  	s29 =	simm.s32 $0x140;
	s30 =	simm.s32 $0xEC40  }
0x2a: {  	[tilespmem:s30], [sflag:$0x5] =	stream.indirect.gather [hbm4b:s1+s17], $0x40, s29, s17, $0xb8;
	[tilespmem:$0x1D880] =	vst v63  }
0x2b: {  	s22 =	simm.s32 $0x190;
	s23 =	simm.s32 $0x10040  }
0x2c: {  	[tilespmem:s23], [sflag:$0x6] =	stream.indirect.gather [hbm4b:s1+s17], $0x40, s22, s17, $0xb8;
	[tilespmem:$0x1D880] =	vst v63  }
0x2d: {  	s24 =	simm.s32 $0x1E0;
	s25 =	simm.s32 $0x11440  }
0x2e: {  	[tilespmem:s25], [sflag:$0x7] =	stream.indirect.gather [hbm4b:s1+s17], $0x40, s24, s17, $0xb8;
	[tilespmem:$0x1D880] =	vst v63  }
0x2f: {  	_ =	swait.ge [sflag:s31], $0x1400  }
0x30: {  	p1 =	por $0x0, $0x0;
	s29 =	simm.s32 $0x1;
	[sflag:s31] =	ssyncset.done $0x0  }
0x31: {  	s26 =	simm.s32 $0x230;
	s21 =	sand.u32 $0x7, s29;
	[sflag:s31] =	ssyncadd.s32 $0xFFFFEC00  }
0x32: {  	[spmem:s3] =	stream.indirect.scatter.add.f32 [tilespmem:s18], [sflag:$0x9], $0x40, s12, s17, $0xb8;
	[tilespmem:$0x1D880] =	vst v63  }
0x33: {  	s22 =	simm.s32 $0x8;
	s24 =	smul.u32 $0x5000, s21;
	s25 =	sadd.s32 $0x1, s21  }
0x34: {  	[tilespmem:s0], [sflag:$0x8] =	stream.indirect.gather [hbm4b:s1+s17], $0x40, s26, s17, $0xb8;
	[tilespmem:$0x1D880] =	vst v63  }
0x35: {  	s23 =	simm.s32 $0x4E70;
	s21 =	sadd.s32 $0x9, s21;
	_ =	swait.ge [sflag:s25], $0x1400  }
0x36: {  	s30 =	sshrl.u32 s24, $0x2;
	s26 =	sand.u32 $0x7, s22;
	[sflag:s25] =	ssyncset.done $0x0  }
0x37: {  	s22 =	sadd.s32 $0x9C40, s30;
	s24 =	smul.u32 @!p1 $0x5000, s26;
	[sflag:s25] =	ssyncadd.s32 $0xFFFFEC00  }
0x38: {  	[spmem:s3] =	stream.indirect.scatter.add.f32 [tilespmem:s22], [sflag:s21], $0x40, s23, s17, $0xb8;
	[tilespmem:$0x1D880] =	vst v63  }
0x39: {  	s28 =	sadd.s32 $0x9, s26;
	s25 =	sadd.s32 @!p1 $0x1, s26;
	s21 =	simm.s32 $0x280  }
0x3a: {  	s22 =	simm.s32 $0x9;
	s23 =	sshrl.u32 @!p1 s24, $0x2;
	_ =	swait.ge [sflag:s28], $0x1400  }
0x3b: {  	s24 =	simm.s32 $0x2D0;
	s26 =	sadd.s32 @!p1 $0x9C40, s23;
	[sflag:s28] =	ssyncset.done $0x0  }
0x3c: {  	s23 =	simm.s32 $0x4EC0;
	[sflag:s28] =	ssyncadd.s32 $0xFFFFEC00;
	s28 =	simm.s32 @!p1 $0x50  }
.LBB2_2:
0x3d: {  	[tilespmem:s26], [sflag:s25] =	stream.indirect.gather @!p1 [hbm4b:s1+s28], $0x40, s21, s28, $0xb8;
	[tilespmem:$0x1D880] =	vst v63  }
0x3e: {  	s25 =	smov.u32 s22;
	s21 =	smov.u32 s24  }
0x3f: {  	s22 =	sadd.s32 $0x1, s22;
	s26 =	sadd.s32 $0xFFFFFFF9, s25  }
0x40: {  	s25 =	sand.u32 $0x7, s25;
	p2 =	sne.s32 s22, $0x101;
	s28 =	sand.u32 $0x7, s26  }
0x41: {  	s29 =	smul.u32 $0x5000, s28;
	s30 =	sadd.s32 $0x1, s28;
	s28 =	sadd.s32 $0x9, s28  }
0x42: {  	s2 =	sadd.s32 $0x9, s25;
	p1 =	sgt.u32 s26, $0xF2;
	_ =	swait.ge [sflag:s30], $0x1400  }
0x43: {  	s26 =	sshrl.u32 s29, $0x2;
	[sflag:s30] =	ssyncset.done $0x0;
	s29 =	smul.u32 @!p1 $0x5000, s25  }
.Ltmp0:
0x44: {  	s26 =	sadd.s32 $0x9C40, s26;
	[sflag:s30] =	ssyncadd.s32 $0xFFFFEC00;
	(pc) =	sbr.rel @p2 .LBB2_2-.Ltmp0, $4  }
0x45: {  	[spmem:s3] =	stream.indirect.scatter.add.f32 [tilespmem:s26], [sflag:s28], $0x40, s23, s17, $0xb8;
	[tilespmem:$0x1D880] =	vst v63  }
0x46: {  	s25 =	sadd.s32 @!p1 $0x1, s25;
	s26 =	sshrl.u32 @!p1 s29, $0x2;
	_ =	swait.ge [sflag:s2], $0x1400  }
0x47: {  	s23 =	sadd.s32 $0x50, s23;
	s26 =	sadd.s32 @!p1 $0x9C40, s26;
	[sflag:s2] =	ssyncset.done $0x0  }
0x48: {  	s24 =	sadd.s32 $0x50, s24;
	s28 =	simm.s32 @!p1 $0x50;
	[sflag:s2] =	ssyncadd.s32 $0xFFFFEC00  }
0x49: {  	[tilespmem:s26], [sflag:s25] =	stream.indirect.gather @!p1 [hbm4b:s1+s28], $0x40, s21, s28, $0xb8;
	[tilespmem:$0x1D880] =	vst v63  }
0x4a: {  	_ =	swait.ge [sflag:s19], $0x1400  }
0x4b: {  	[sflag:s19] =	ssyncset.done $0x0  }
0x4c: {  	[sflag:s19] =	ssyncadd.s32 $0xFFFFEC00  }
0x4d: {  	s2 =	sadd.s32 @p0 $0x12480, s10;
	s21 =	simm.s32 @p0 $0x1FD1;
	[bflag:$0x0] =	sbarrier.arrive $0xFFFF  }
0x4e: {  	[hbm:s2], [sflag:s21] =	dma.local @p0 [spmem:s14], $0x1400  }
0x4f: {  	s2 =	simm.s32 @p0 $0x11  }
0x50: {  	_ =	swait.ge @p0 [sflag:s2], $0x1400  }
0x51: {  	[sflag:s2] =	ssyncset.done @p0 $0x0  }
0x52: {  	s20 =	sadd.s32 $0x1, s20;
	[sflag:s2] =	ssyncadd.s32 @p0 $0xFFFFEC00;
	s2 =	sadd.s32 @!p0 s5, s10  }
0x53: {  	[hbm:s2], [sflag:s15] =	dma.local @!p0 [spmem:s16], $0x1380  }
0x54: {  	p1 =	sne.s32 s20, s11;
	s2 =	simm.s32 @!p0 $0x11  }
.Ltmp1:
0x55: {  	_ =	swait.ge @!p0 [sflag:s2], $0x1380;
	(pc) =	sbr.rel @p1 .LBB2_1-.Ltmp1, $3  }
0x56: {  	[sflag:s2] =	ssyncset.done @!p0 $0x0  }
0x57: {  	[sflag:s2] =	ssyncadd.s32 @!p0 $0xFFFFEC80  }
0x58: {  	[bflag:$0x0] =	sbarrier.arrive $0xFFFF;
	_ =	sdelay $0x1  }
0x59: {  	_ =	sfence.sel $0x180000  }
0x5a: {  	[bflag:$0x0] =	sbarrier.arrive $0xFFFF  }
0x5b: {  	_ =	strace $0x9000004A  }
0x5c: {  	s0 =	stileid.u32;
	[bflag:$0x2] =	sbarrier.arrive $0xFFFF  }
0x5d: {  	p0 =	sne.s32 s0, $0x0;
	s0 =	rddreg [dreg:$0x3]  }
0x5e: {  	s0 =	sadd.s32 @!p0 $0x100000, s0  }
0x5f: {  	[sflag:s0] =	ssyncadd.tile.s32 @!p0 $0x1;
	_ =	shalt  }
.Lfunc_end2:
_tile_overlayer_lowered:
.L_overlay_start_2:
0x60: {  	(tag) =	ssettag $0x2  }
0x61: {  	s0 =	rddreg [dreg:$0x0];
	s2 =	stileid.u32  }
0x62: {  	s1 =	rddreg [dreg:$0x1];
	p0 =	sne.s32 s2, $0x0  }
0x63: {  	s3 =	rddreg [dreg:$0x2];
	[bflag:$0x3] =	sbarrier.arrive $0xFFFF;
	s2 =	simm.s32 @!p0 $0x1C11  }
0x64: {  	[timem:s3], [sflag:s2] =	dma.local @!p0 [hbm:s0], s1  }
0x65: {  	s0 =	simm.s32 @!p0 $0x11  }
0x66: {  	_ =	swait.ge @!p0 [sflag:s0], s1  }
0x67: {  	s1 =	ssub.s32 @!p0 $0x0, s1;
	[sflag:s0] =	ssyncset.done @!p0 $0x0  }
0x68: {  	[sflag:s0] =	ssyncadd.s32 @!p0 s1  }
0x69: {  	[bflag:$0x3] =	sbarrier.arrive $0xFFFF  }
0x6a: {  	_ =	shalt  }

// kernel: kernel.14.cloned.1.call-start
scs
__scs_entry_jumppad:
0x0: {  	(pc) =	sbr.rel $0x88, $3  }
0x1: {  	(tag) =	ssettag $0x0;
	lr =	simm.s32 $0x1  }
0x2: {  	[smem:$0x3F9B] =	sst lr;
	_ =	strace $0xD0000000  }
0x3: {  	_ = 	snop  }
0x4: {  	_ = 	snop  }
0x5: {  	_ = 	snop  }
0x6: {  	_ = 	snop  }
0x7: {  	_ = 	snop  }
__scs_overlays_trampoline_lowered:
0x8: {  	[smem:$0x3FAA] =	sst s0  }
0x9: {  	[smem:$0x3FAB] =	sst s1  }
0xa: {  	[smem:$0x3FAC] =	sst s2  }
0xb: {  	[smem:$0x3FAD] =	sst s3  }
0xc: {  	[smem:$0x3FAE] =	sst s4  }
0xd: {  	[smem:$0x3FAF] =	sst s5  }
0xe: {  	[smem:$0x3FB0] =	sst s6  }
0xf: {  	[smem:$0x3FB1] =	sst s7  }
0x10: {  	[smem:$0x3FB2] =	sst s8  }
0x11: {  	[smem:$0x3FB3] =	sst s9;
	s0 =	simm.s32 @!p0 $0x0  }
0x12: {  	s1 =	sld [smem:$0x3F99];
	s0 =	simm.s32 @p0 $0x1  }
0x13: {  	[smem:$0x3FB4] =	sst s0;
	s0 =	simm.s32 @!p1 $0x0  }
0x14: {  	s2 =	sld [smem:$0x3F98];
	s0 =	simm.s32 @p1 $0x1  }
0x15: {  	[smem:$0x3FB5] =	sst s0;
	s0 =	simm.s32 @!p2 $0x0  }
0x16: {  	s3 =	sld [smem:$0x3FDB];
	s0 =	simm.s32 @p2 $0x1  }
0x17: {  	s4 =	simm.s32 $0x1BF5;
	[smem:$0x3FB7] =	sst s0  }
0x18: {  	s0 =	sld [smem:$0x3F9A];
	_ =	swait.ge [sflag:s4], $0x0  }
0x19: {  	s7 =	sld [smem:$0x3F9B]  }
0x1a: {  	s8 =	sadd.s32 $0xFFFFE003, lr  }
0x1b: {  	s9 =	sadd.s32 $0xFFFFFEF7, lr;
	s5 =	simm.s32 $0xFFFFFFFF;
	p2 =	slt.u32 s8, $0xFFFFF086  }
0x1c: {  	p1 =	slt.u32 s9, $0xF7A;
	s5 =	simm.s32 @!p2 $0x0  }
0x1d: {  	s5 =	simm.s32 @p1 $0x1;
	p0 =	seq.s32 s7, s2  }
0x1e: {  	s7 =	smul.u32 @!p0 $0xF7A, s2;
	p2 =	seq.s32 @!p0 s5, $0x0  }
0x1f: {  	s9 =	smul.u32 $0xF7A, s1;
	s8 =	simm.s32 @!p0 $0x1BF5;
	p2 =	por !p2, p0  }
0x20: {  	[sflag:s8] =	ssyncset.s32 @!p0 $0xFFFFF086;
	s6 =	sadd.s32 @!p0 s3, s7;
	s7 =	simm.s32 @!p0 $0x108  }
0x21: {  	s3 =	sadd.s32 s3, s9;
	s6 =	sadd.s32 @!p0 $0x88, s6;
	s7 =	simm.s32 @p2 $0x1082  }
0x22: {  	[simem:s7], [sflag:s8] =	dma.local @!p0 [hbm:s6], $0xF7A  }
0x23: {  	s9 =	sor.u32 $0xD0000000, s2;
	s6 =	simm.s32 $0x108;
	_ =	swait.ge @!p0 [sflag:s8], $0x0  }
0x24: {  	s3 =	sadd.s32 $0x88, s3;
	s6 =	simm.s32 @!p1 $0x1082;
	[sflag:s4] =	ssyncset.s32 $0xFFFFF086  }
0x25: {  	[simem:s6], [sflag:s4] =	dma.local [hbm:s3], $0xF7A  }
0x26: {  	[smem:$0x3F9B] =	sst s1;
	(tag) =	ssettag s2;
	_ =	strace s9  }
0x27: {  	s1 =	sld [smem:$0x3FAB]  }
0x28: {  	s2 =	sld [smem:$0x3FAC]  }
0x29: {  	s4 =	sld [smem:$0x3FAE]  }
0x2a: {  	p0 =	seq.s32 s5, $0x0;
	s5 =	sld [smem:$0x3FAF]  }
0x2b: {  	s6 =	sld [smem:$0x3FB0]  }
0x2c: {  	s7 =	sld [smem:$0x3FB1]  }
0x2d: {  	s3 =	simm.s32 $0x108;
	s8 =	sld [smem:$0x3FB2]  }
0x2e: {  	s3 =	simm.s32 @!p0 $0x1082;
	s9 =	sld [smem:$0x3FB3]  }
0x2f: {  	lr =	sadd.s32 s0, s3;
	s0 =	sld [smem:$0x3FAA]  }
0x30: {  	s3 =	sld [smem:$0x3FAD]  }
0x31: {  	[smem:$0x3FB6] =	sst s10  }
0x32: {  	s10 =	sld [smem:$0x3FB4];
	_ =	sdelay $0x3  }
0x33: {  	p0 =	seq.s32 s10, $0x1;
	s10 =	sld [smem:$0x3FB6];
	_ =	sdelay $0x3  }
0x34: {  	[smem:$0x3FB6] =	sst s10  }
0x35: {  	s10 =	sld [smem:$0x3FB5];
	_ =	sdelay $0x3  }
0x36: {  	p1 =	seq.s32 s10, $0x1;
	s10 =	sld [smem:$0x3FB6];
	_ =	sdelay $0x3  }
0x37: {  	[smem:$0x3FB6] =	sst s10  }
0x38: {  	s10 =	sld [smem:$0x3FB7]  }
0x39: {  	_ = 	snop;
	(pc) =	sbr.ind lr, $3  }
0x3a: {  	_ = 	snop  }
0x3b: {  	_ = 	snop  }
0x3c: {  	p2 =	seq.s32 s10, $0x1;
	s10 =	sld [smem:$0x3FB6]  }
0x3d: {  	_ =	shalt  }
0x3e: {  	_ =	shalt  }
0x3f: {  	_ =	shalt  }
0x40: {  	_ =	shalt  }
0x41: {  	_ =	shalt  }
0x42: {  	_ =	shalt  }
0x43: {  	_ =	shalt  }
0x44: {  	_ =	shalt  }
0x45: {  	_ =	shalt  }
0x46: {  	_ =	shalt  }
0x47: {  	_ =	shalt  }
0x48: {  	_ =	shalt  }
0x49: {  	_ =	shalt  }
0x4a: {  	_ =	shalt  }
0x4b: {  	_ =	shalt  }
0x4c: {  	_ =	shalt  }
0x4d: {  	_ =	shalt  }
0x4e: {  	_ =	shalt  }
0x4f: {  	_ =	shalt  }
0x50: {  	_ =	shalt  }
0x51: {  	_ =	shalt  }
0x52: {  	_ =	shalt  }
0x53: {  	_ =	shalt  }
0x54: {  	_ =	shalt  }
0x55: {  	_ =	shalt  }
0x56: {  	_ =	shalt  }
0x57: {  	_ =	shalt  }
0x58: {  	_ =	shalt  }
0x59: {  	_ =	shalt  }
0x5a: {  	_ =	shalt  }
0x5b: {  	_ =	shalt  }
0x5c: {  	_ =	shalt  }
0x5d: {  	_ =	shalt  }
0x5e: {  	_ =	shalt  }
0x5f: {  	_ =	shalt  }
0x60: {  	_ =	shalt  }
0x61: {  	_ =	shalt  }
0x62: {  	_ =	shalt  }
0x63: {  	_ =	shalt  }
0x64: {  	_ =	shalt  }
0x65: {  	_ =	shalt  }
0x66: {  	_ =	shalt  }
0x67: {  	_ =	shalt  }
0x68: {  	_ =	shalt  }
0x69: {  	_ =	shalt  }
0x6a: {  	_ =	shalt  }
0x6b: {  	_ =	shalt  }
0x6c: {  	_ =	shalt  }
0x6d: {  	_ =	shalt  }
0x6e: {  	_ =	shalt  }
0x6f: {  	_ =	shalt  }
0x70: {  	_ =	shalt  }
0x71: {  	_ =	shalt  }
0x72: {  	_ =	shalt  }
0x73: {  	_ =	shalt  }
0x74: {  	_ =	shalt  }
0x75: {  	_ =	shalt  }
0x76: {  	_ =	shalt  }
0x77: {  	_ =	shalt  }
0x78: {  	_ =	shalt  }
0x79: {  	_ =	shalt  }
0x7a: {  	_ =	shalt  }
0x7b: {  	_ =	shalt  }
0x7c: {  	_ =	shalt  }
0x7d: {  	_ =	shalt  }
0x7e: {  	_ =	shalt  }
0x7f: {  	_ =	shalt  }
0x80: {  	_ =	shalt  }
0x81: {  	_ =	shalt  }
0x82: {  	_ =	shalt  }
0x83: {  	_ =	shalt  }
0x84: {  	_ =	shalt  }
0x85: {  	_ =	shalt  }
0x86: {  	_ =	shalt  }
0x87: {  	_ =	shalt  }
.Lfunc_end0:
.L_simem_size_0:
called_computation.2_lowered:
.L_overlay_start_0:
0x88: {  	s2 =	sld [smem:$0x3FD9]  }
0x89: {  	s3 =	sld [smem:$0x3FFE];
	_ =	sdelay $0x1  }
0x8a: {  	s1 =	srdreg.scid  }
0x8b: {  	s0 =	sand.u32 $0x1, s1  }
0x8c: {  	s17 =	sshll.u32 s0, $0xA;
	s2 =	sadd.s32 s3, s2  }
0x8d: {  	s2 =	sadd.s32 s2, s17  }
0x8e: {  	[smem:$0x3FC2] =	sst s2  }
0x8f: {  	_ = 	snop  }
0x90: {  	s2 =	sld [smem:$0x3FD0];
	(tm) =	ssettm $0x1  }
0x91: {  	s18 =	sld [smem:$0x3FFB];
	_ =	sdelay $0x3  }
0x92: {  	_ =	strace s18  }
0x93: {  	s3 =	sld [smem:$0x3FFC];
	_ =	sdelay $0x3  }
0x94: {  	_ =	strace s3  }
0x95: {  	s3 =	sld [smem:$0x3FFD];
	_ =	sdelay $0x3  }
0x96: {  	_ =	strace s3  }
0x97: {  	_ =	strace $0x8FFFFFFF  }
0x98: {  	s19 =	sld [smem:$0x3FDB];
	_ =	sdelay $0x1  }
0x99: {  	s4 =	simm.s32 $_scs_section_size  }
0x9a: {  	s5 =	simm.s32 $_size__tile_overlayer_lowered;
	s6 =	simm.s32 $_tile_overlayer_lowered  }
0x9b: {  	s22 =	simm.s32 $0x1BFF;
	s21 =	sshll.u32 s6, $0x1;
	s3 =	sadd.s32 s4, s19  }
0x9c: {  	s7 =	simm.s32 $0x0;
	s20 =	sshll.u32 s5, $0x1;
	s5 =	sadd.s32 s21, s3  }
0x9d: {  	[timem:s7], [sflag:s22] =	dma.local [hbm:s5], s20  }
0x9e: {  	_ =	swait.ge [sflag:s22], s20  }
0x9f: {  	s4 =	ssub.s32 $0x0, s20;
	[sflag:s22] =	ssyncset.done $0x0  }
0xa0: {  	[sflag:s22] =	ssyncadd.s32 s4;
	_ =	sdelay $0x1  }
0xa1: {  	s23 =	simm.s32 $0x1B8B  }
0xa2: {  	_ =	swait.ge [sflag:s23], $0x1  }
0xa3: {  	[sflag:s23] =	ssyncset.done $0x0  }
0xa4: {  	s25 =	simm.s32 $0x1B8E;
	s24 =	sld [smem:$0x3FFE];
	[sflag:s23] =	ssyncadd.s32 $0xFFFFFFFF  }
0xa5: {  	s26 =	simm.s32 $execute0_lowered;
	[smem:$0x3FD2] =	sst s25  }
0xa6: {  	s5 =	sshll.u32 s26, $0x1;
	_ =	strace $0x8000004C;
	[dreg:$0x1] =	wrdreg $0xFFFFFFFF  }
0xa7: {  	s28 =	simm.s32 $_size_execute0_lowered;
	s3 =	sadd.s32 s3, s5;
	[dreg:$0x0] =	wrdreg $0x0  }
0xa8: {  	s5 =	sshll.u32 s28, $0x1;
	[dreg:$0x2] =	wrdreg s3  }
0xa9: {  	[dreg:$0x3] =	wrdreg s5  }
0xaa: {  	[dreg:$0x4] =	wrdreg $0xC0  }
0xab: {  	_ =	task [dreg:s7], $0x5FFFF  }
0xac: {  	[dreg:$0x1] =	wrdreg $0xFFFFFFFF  }
0xad: {  	[dreg:$0x0] =	wrdreg $0x60  }
0xae: {  	[dreg:$0x2] =	wrdreg s2  }
0xaf: {  	[dreg:$0x3] =	wrdreg s24  }
0xb0: {  	[dreg:$0x4] =	wrdreg $0x13C400  }
0xb1: {  	[dreg:$0x5] =	wrdreg $0x9  }
0xb2: {  	_ =	task.clear_ibuf [dreg:s7], $0x6FFFF;
	_ =	strace $0x9000004C  }
0xb3: {  	s29 =	simm.s32 $0x9;
	_ =	strace $0x8000004E  }
0xb4: {  	_ =	swait.ge [sflag:s29], $0x1  }
0xb5: {  	[sflag:s29] =	ssyncadd.s32 $0xFFFFFFFF  }
0xb6: {  	_ =	strace $0x9000004E  }
0xb7: {  	_ =	sfence  }
0xb8: {  	s30 =	sld [smem:$0x0];
	_ =	sdelay $0x2  }
0xb9: {  	s31 =	sshll.u32 s1, $0xD;
	s1 =	sshrl.u32 s1, $0x2  }
0xba: {  	s3 =	sand.u32 $0x4000, s31;
	s1 =	sadd.s32 s1, s30  }
0xbb: {  	s0 =	sor.u32 s3, s0;
	s1 =	sshll.u32 s1, $0x11  }
0xbc: {  	s0 =	sor.u32 s1, s0  }
0xbd: {  	s0 =	sadd.s32 $0x8F2B, s0  }
0xbe: {  	[sflag:s0] =	ssyncadd.remote.s32 $0x1  }
0xbf: {  	_ =	sfence.sel $0xFFFF  }
0xc0: {  	[dreg:$0x0] =	wrdreg $0xFFFFFFFF;
	(pc) =	sbr.abs _section_cstart, $3  }
0xc1: {  	[dreg:$0x1] =	wrdreg $0xFFFFFFFF  }
0xc2: {  	_ =	task.clear_ibuf [dreg:s7], $0x2FFFF;
	_ =	strace $0x9FFFFFFF  }
0xc3: {  	(tm) =	ssettm $0x7FFFFFFF  }
tec
execute0_lowered:
.L_overlay_start_1:
0x0: {  	(tag) =	ssettag $0x1  }
0x1: {  	s1 =	rddreg [dreg:$0x0]  }
0x2: {  	s0 =	srdreg.scid;
	s2 =	rddreg [dreg:$0x1]  }
0x3: {  	s15 =	stileid.u32;
	s3 =	rddreg [dreg:$0x2];
	s12 =	simm.s32 $0x4E20  }
0x4: {  	s13 =	simm.s32 $0x11;
	s17 =	simm.s32 $0x50;
	s18 =	simm.s32 $0x9C40  }
0x5: {  	s31 =	simm.s32 $0x1;
	s19 =	simm.s32 $0xA;
	s20 =	simm.s32 $0x0  }
0x6: {  	s0 =	sand.u32 $0x1, s0;
	s8 =	smul.u32 $0x9C00, s15;
	s14 =	sadd.s32 $0x92400, s3  }
0x7: {  	p0 =	seq.s32 s15, $0xF;
	s4 =	sshll.u32 s0, $0x4;
	s6 =	smul.u32 $0x13880, s0  }
0x8: {  	s0 =	ssub.s32 $0x2, s0;
	s14 =	sshrl.u32 @p0 s14, $0x3;
	s5 =	sor.u32 s15, s4  }
0x9: {  	s4 =	simm.s32 $0x0;
	s9 =	sshrl.u32 s0, $0x1;
	s5 =	smul.u32 $0x9C4, s5  }
0xa: {  	s16 =	sadd.s32 s8, s3;
	[smem:$0x7FF] =	sst s4;
	s11 =	sadd.s32 s6, s2  }
0xb: {  	s0 =	ssub.s32 s0, s9;
	s7 =	sadd.s32 s5, s2;
	s5 =	sshrl.u32 s8, $0x3  }
0xc: {  	s9 =	sadd.s32 $0x8A680, s2;
	s16 =	sshrl.u32 @!p0 s16, $0x3;
	s10 =	sadd.s32 s5, s2  }
0xd: {  	_ =	strace $0x8000004D;
	s6 =	sadd.s32 $0x16600, s7;
	s8 =	sadd.s32 $0x78200, s10  }
0xe: {  	s10 =	sadd.s32 $0x8BC00, s11;
	s11 =	smax.u32 s0, $0x1;
	s0 =	sshll.u32 @!p0 s15, $0x6  }
0xf: {  	s7 =	sadd.s32 $0x2C00, s7;
	s15 =	sor.u32 @!p0 $0x1C11, s0;
	s0 =	simm.s32 $0x12840  }
.LBB2_1:
0x10: {  	[tilespmem:s12], [sflag:$0x11] =	stream.linear.gather [hbm4b:s6+s4], $0x4E20, $0x38;
	[tilespmem:$0x1D880] =	vst v63  }
0x11: {  	_ =	swait.ge [sflag:s13], $0x4E20  }
0x12: {  	[sflag:s13] =	ssyncset.done $0x0  }
0x13: {  	[sflag:s13] =	ssyncadd.s32 $0xFFFFB1E0  }
0x14: {  	[tilespmem:s4], [sflag:$0x11] =	stream.linear.gather [hbm4b:s7+s4], $0x4E20, $0x38;
	[tilespmem:$0x1D880] =	vst v63  }
0x15: {  	_ =	swait.ge [sflag:s13], $0x4E20  }
0x16: {  	[sflag:s13] =	ssyncset.done $0x0  }
0x17: {  	s21 =	simm.s32 @p0 $0x1FD1;
	[sflag:s13] =	ssyncadd.s32 $0xFFFFB1E0  }
0x18: {  	[spmem:s14], [sflag:s21] =	dma.local @p0 [hbm:s9], $0x1400  }
0x19: {  	s21 =	simm.s32 @p0 $0x11  }
0x1a: {  	_ =	swait.ge @p0 [sflag:s21], $0x1400  }
0x1b: {  	[sflag:s21] =	ssyncset.done @p0 $0x0  }
0x1c: {  	[sflag:s21] =	ssyncadd.s32 @p0 $0xFFFFEC00;
	s21 =	simm.s32 @!p0 $0x11  }
0x1d: {  	[spmem:s16], [sflag:s15] =	dma.local @!p0 [hbm:s8], $0x1380  }
0x1e: {  	_ =	swait.ge @!p0 [sflag:s21], $0x1380  }
0x1f: {  	[sflag:s21] =	ssyncset.done @!p0 $0x0  }
0x20: {  	[sflag:s21] =	ssyncadd.s32 @!p0 $0xFFFFEC80  }
0x21: {  	[bflag:$0x0] =	sbarrier.arrive $0xFFFF  }
0x22: {  	[tilespmem:s18], [sflag:$0x1] =	stream.indirect.gather [hbm4b:s1+s17], $0x40, s4, s17, $0xb8;
	[tilespmem:$0x1D880] =	vst v63  }
0x23: {  	s2 =	simm.s32 $0xB040  }
0x24: {  	[tilespmem:s2], [sflag:$0x2] =	stream.indirect.gather [hbm4b:s1+s17], $0x40, s17, s17, $0xb8;
	[tilespmem:$0x1D880] =	vst v63  }
0x25: {  	s23 =	simm.s32 $0xA0;
	s24 =	simm.s32 $0xC440  }
0x26: {  	[tilespmem:s24], [sflag:$0x3] =	stream.indirect.gather [hbm4b:s1+s17], $0x40, s23, s17, $0xb8;
	[tilespmem:$0x1D880] =	vst v63  }
0x27: {  	s25 =	simm.s32 $0xF0;
	s26 =	simm.s32 $0xD840  }
0x28: {  	[tilespmem:s26], [sflag:$0x4] =	stream.indirect.gather [hbm4b:s1+s17], $0x40, s25, s17, $0xb8;
	[tilespmem:$0x1D880] =	vst v63  }
0x29: {  	s29 =	simm.s32 $0x140;
	s30 =	simm.s32 $0xEC40  }
0x2a: {  	[tilespmem:s30], [sflag:$0x5] =	stream.indirect.gather [hbm4b:s1+s17], $0x40, s29, s17, $0xb8;
	[tilespmem:$0x1D880] =	vst v63  }
0x2b: {  	s22 =	simm.s32 $0x190;
	s23 =	simm.s32 $0x10040  }
0x2c: {  	[tilespmem:s23], [sflag:$0x6] =	stream.indirect.gather [hbm4b:s1+s17], $0x40, s22, s17, $0xb8;
	[tilespmem:$0x1D880] =	vst v63  }
0x2d: {  	s24 =	simm.s32 $0x1E0;
	s25 =	simm.s32 $0x11440  }
0x2e: {  	[tilespmem:s25], [sflag:$0x7] =	stream.indirect.gather [hbm4b:s1+s17], $0x40, s24, s17, $0xb8;
	[tilespmem:$0x1D880] =	vst v63  }
0x2f: {  	_ =	swait.ge [sflag:s31], $0x1400  }
0x30: {  	p1 =	por $0x0, $0x0;
	s29 =	simm.s32 $0x1;
	[sflag:s31] =	ssyncset.done $0x0  }
0x31: {  	s26 =	simm.s32 $0x230;
	s21 =	sand.u32 $0x7, s29;
	[sflag:s31] =	ssyncadd.s32 $0xFFFFEC00  }
0x32: {  	[spmem:s3] =	stream.indirect.scatter.add.f32 [tilespmem:s18], [sflag:$0x9], $0x40, s12, s17, $0xb8;
	[tilespmem:$0x1D880] =	vst v63  }
0x33: {  	s22 =	simm.s32 $0x8;
	s24 =	smul.u32 $0x5000, s21;
	s25 =	sadd.s32 $0x1, s21  }
0x34: {  	[tilespmem:s0], [sflag:$0x8] =	stream.indirect.gather [hbm4b:s1+s17], $0x40, s26, s17, $0xb8;
	[tilespmem:$0x1D880] =	vst v63  }
0x35: {  	s23 =	simm.s32 $0x4E70;
	s21 =	sadd.s32 $0x9, s21;
	_ =	swait.ge [sflag:s25], $0x1400  }
0x36: {  	s30 =	sshrl.u32 s24, $0x2;
	s26 =	sand.u32 $0x7, s22;
	[sflag:s25] =	ssyncset.done $0x0  }
0x37: {  	s22 =	sadd.s32 $0x9C40, s30;
	s24 =	smul.u32 @!p1 $0x5000, s26;
	[sflag:s25] =	ssyncadd.s32 $0xFFFFEC00  }
0x38: {  	[spmem:s3] =	stream.indirect.scatter.add.f32 [tilespmem:s22], [sflag:s21], $0x40, s23, s17, $0xb8;
	[tilespmem:$0x1D880] =	vst v63  }
0x39: {  	s28 =	sadd.s32 $0x9, s26;
	s25 =	sadd.s32 @!p1 $0x1, s26;
	s21 =	simm.s32 $0x280  }
0x3a: {  	s22 =	simm.s32 $0x9;
	s23 =	sshrl.u32 @!p1 s24, $0x2;
	_ =	swait.ge [sflag:s28], $0x1400  }
0x3b: {  	s24 =	simm.s32 $0x2D0;
	s26 =	sadd.s32 @!p1 $0x9C40, s23;
	[sflag:s28] =	ssyncset.done $0x0  }
0x3c: {  	s23 =	simm.s32 $0x4EC0;
	[sflag:s28] =	ssyncadd.s32 $0xFFFFEC00;
	s28 =	simm.s32 @!p1 $0x50  }
.LBB2_2:
0x3d: {  	[tilespmem:s26], [sflag:s25] =	stream.indirect.gather @!p1 [hbm4b:s1+s28], $0x40, s21, s28, $0xb8;
	[tilespmem:$0x1D880] =	vst v63  }
0x3e: {  	s25 =	smov.u32 s22;
	s21 =	smov.u32 s24  }
0x3f: {  	s22 =	sadd.s32 $0x1, s22;
	s26 =	sadd.s32 $0xFFFFFFF9, s25  }
0x40: {  	s25 =	sand.u32 $0x7, s25;
	p2 =	sne.s32 s22, $0x101;
	s28 =	sand.u32 $0x7, s26  }
0x41: {  	s29 =	smul.u32 $0x5000, s28;
	s30 =	sadd.s32 $0x1, s28;
	s28 =	sadd.s32 $0x9, s28  }
0x42: {  	s2 =	sadd.s32 $0x9, s25;
	p1 =	sgt.u32 s26, $0xF2;
	_ =	swait.ge [sflag:s30], $0x1400  }
0x43: {  	s26 =	sshrl.u32 s29, $0x2;
	[sflag:s30] =	ssyncset.done $0x0;
	s29 =	smul.u32 @!p1 $0x5000, s25  }
.Ltmp0:
0x44: {  	s26 =	sadd.s32 $0x9C40, s26;
	[sflag:s30] =	ssyncadd.s32 $0xFFFFEC00;
	(pc) =	sbr.rel @p2 .LBB2_2-.Ltmp0, $4  }
0x45: {  	[spmem:s3] =	stream.indirect.scatter.add.f32 [tilespmem:s26], [sflag:s28], $0x40, s23, s17, $0xb8;
	[tilespmem:$0x1D880] =	vst v63  }
0x46: {  	s25 =	sadd.s32 @!p1 $0x1, s25;
	s26 =	sshrl.u32 @!p1 s29, $0x2;
	_ =	swait.ge [sflag:s2], $0x1400  }
0x47: {  	s23 =	sadd.s32 $0x50, s23;
	s26 =	sadd.s32 @!p1 $0x9C40, s26;
	[sflag:s2] =	ssyncset.done $0x0  }
0x48: {  	s24 =	sadd.s32 $0x50, s24;
	s28 =	simm.s32 @!p1 $0x50;
	[sflag:s2] =	ssyncadd.s32 $0xFFFFEC00  }
0x49: {  	[tilespmem:s26], [sflag:s25] =	stream.indirect.gather @!p1 [hbm4b:s1+s28], $0x40, s21, s28, $0xb8;
	[tilespmem:$0x1D880] =	vst v63  }
0x4a: {  	_ =	swait.ge [sflag:s19], $0x1400  }
0x4b: {  	[sflag:s19] =	ssyncset.done $0x0  }
0x4c: {  	[sflag:s19] =	ssyncadd.s32 $0xFFFFEC00  }
0x4d: {  	s2 =	sadd.s32 @p0 $0x12480, s10;
	s21 =	simm.s32 @p0 $0x1FD1;
	[bflag:$0x0] =	sbarrier.arrive $0xFFFF  }
0x4e: {  	[hbm:s2], [sflag:s21] =	dma.local @p0 [spmem:s14], $0x1400  }
0x4f: {  	s2 =	simm.s32 @p0 $0x11  }
0x50: {  	_ =	swait.ge @p0 [sflag:s2], $0x1400  }
0x51: {  	[sflag:s2] =	ssyncset.done @p0 $0x0  }
0x52: {  	s20 =	sadd.s32 $0x1, s20;
	[sflag:s2] =	ssyncadd.s32 @p0 $0xFFFFEC00;
	s2 =	sadd.s32 @!p0 s5, s10  }
0x53: {  	[hbm:s2], [sflag:s15] =	dma.local @!p0 [spmem:s16], $0x1380  }
0x54: {  	p1 =	sne.s32 s20, s11;
	s2 =	simm.s32 @!p0 $0x11  }
.Ltmp1:
0x55: {  	_ =	swait.ge @!p0 [sflag:s2], $0x1380;
	(pc) =	sbr.rel @p1 .LBB2_1-.Ltmp1, $3  }
0x56: {  	[sflag:s2] =	ssyncset.done @!p0 $0x0  }
0x57: {  	[sflag:s2] =	ssyncadd.s32 @!p0 $0xFFFFEC80  }
0x58: {  	[bflag:$0x0] =	sbarrier.arrive $0xFFFF;
	_ =	sdelay $0x1  }
0x59: {  	_ =	sfence.sel $0x180000  }
0x5a: {  	[bflag:$0x0] =	sbarrier.arrive $0xFFFF  }
0x5b: {  	_ =	strace $0x9000004D  }
0x5c: {  	s0 =	stileid.u32;
	[bflag:$0x2] =	sbarrier.arrive $0xFFFF  }
0x5d: {  	p0 =	sne.s32 s0, $0x0;
	s0 =	rddreg [dreg:$0x3]  }
0x5e: {  	s0 =	sadd.s32 @!p0 $0x100000, s0  }
0x5f: {  	[sflag:s0] =	ssyncadd.tile.s32 @!p0 $0x1;
	_ =	shalt  }
.Lfunc_end2:
_tile_overlayer_lowered:
.L_overlay_start_2:
0x60: {  	(tag) =	ssettag $0x2  }
0x61: {  	s0 =	rddreg [dreg:$0x0];
	s2 =	stileid.u32  }
0x62: {  	s1 =	rddreg [dreg:$0x1];
	p0 =	sne.s32 s2, $0x0  }
0x63: {  	s3 =	rddreg [dreg:$0x2];
	[bflag:$0x3] =	sbarrier.arrive $0xFFFF;
	s2 =	simm.s32 @!p0 $0x1C11  }
0x64: {  	[timem:s3], [sflag:s2] =	dma.local @!p0 [hbm:s0], s1  }
0x65: {  	s0 =	simm.s32 @!p0 $0x11  }
0x66: {  	_ =	swait.ge @!p0 [sflag:s0], s1  }
0x67: {  	s1 =	ssub.s32 @!p0 $0x0, s1;
	[sflag:s0] =	ssyncset.done @!p0 $0x0  }
0x68: {  	[sflag:s0] =	ssyncadd.s32 @!p0 s1  }
0x69: {  	[bflag:$0x3] =	sbarrier.arrive $0xFFFF  }
0x6a: {  	_ =	shalt  }

// kernel: kernel.8.cloned.1.call-start
scs
__scs_entry_jumppad:
0x0: {  	(pc) =	sbr.rel $0x88, $3  }
0x1: {  	(tag) =	ssettag $0x0;
	lr =	simm.s32 $0x1  }
0x2: {  	[smem:$0x3F9B] =	sst lr;
	_ =	strace $0xD0000000  }
0x3: {  	_ = 	snop  }
0x4: {  	_ = 	snop  }
0x5: {  	_ = 	snop  }
0x6: {  	_ = 	snop  }
0x7: {  	_ = 	snop  }
__scs_overlays_trampoline_lowered:
0x8: {  	[smem:$0x3FAA] =	sst s0  }
0x9: {  	[smem:$0x3FAB] =	sst s1  }
0xa: {  	[smem:$0x3FAC] =	sst s2  }
0xb: {  	[smem:$0x3FAD] =	sst s3  }
0xc: {  	[smem:$0x3FAE] =	sst s4  }
0xd: {  	[smem:$0x3FAF] =	sst s5  }
0xe: {  	[smem:$0x3FB0] =	sst s6  }
0xf: {  	[smem:$0x3FB1] =	sst s7  }
0x10: {  	[smem:$0x3FB2] =	sst s8  }
0x11: {  	[smem:$0x3FB3] =	sst s9;
	s0 =	simm.s32 @!p0 $0x0  }
0x12: {  	s1 =	sld [smem:$0x3F99];
	s0 =	simm.s32 @p0 $0x1  }
0x13: {  	[smem:$0x3FB4] =	sst s0;
	s0 =	simm.s32 @!p1 $0x0  }
0x14: {  	s2 =	sld [smem:$0x3F98];
	s0 =	simm.s32 @p1 $0x1  }
0x15: {  	[smem:$0x3FB5] =	sst s0;
	s0 =	simm.s32 @!p2 $0x0  }
0x16: {  	s3 =	sld [smem:$0x3FDB];
	s0 =	simm.s32 @p2 $0x1  }
0x17: {  	s4 =	simm.s32 $0x1BF5;
	[smem:$0x3FB7] =	sst s0  }
0x18: {  	s0 =	sld [smem:$0x3F9A];
	_ =	swait.ge [sflag:s4], $0x0  }
0x19: {  	s7 =	sld [smem:$0x3F9B]  }
0x1a: {  	s8 =	sadd.s32 $0xFFFFE003, lr  }
0x1b: {  	s9 =	sadd.s32 $0xFFFFFEF7, lr;
	s5 =	simm.s32 $0xFFFFFFFF;
	p2 =	slt.u32 s8, $0xFFFFF086  }
0x1c: {  	p1 =	slt.u32 s9, $0xF7A;
	s5 =	simm.s32 @!p2 $0x0  }
0x1d: {  	s5 =	simm.s32 @p1 $0x1;
	p0 =	seq.s32 s7, s2  }
0x1e: {  	s7 =	smul.u32 @!p0 $0xF7A, s2;
	p2 =	seq.s32 @!p0 s5, $0x0  }
0x1f: {  	s9 =	smul.u32 $0xF7A, s1;
	s8 =	simm.s32 @!p0 $0x1BF5;
	p2 =	por !p2, p0  }
0x20: {  	[sflag:s8] =	ssyncset.s32 @!p0 $0xFFFFF086;
	s6 =	sadd.s32 @!p0 s3, s7;
	s7 =	simm.s32 @!p0 $0x108  }
0x21: {  	s3 =	sadd.s32 s3, s9;
	s6 =	sadd.s32 @!p0 $0x88, s6;
	s7 =	simm.s32 @p2 $0x1082  }
0x22: {  	[simem:s7], [sflag:s8] =	dma.local @!p0 [hbm:s6], $0xF7A  }
0x23: {  	s9 =	sor.u32 $0xD0000000, s2;
	s6 =	simm.s32 $0x108;
	_ =	swait.ge @!p0 [sflag:s8], $0x0  }
0x24: {  	s3 =	sadd.s32 $0x88, s3;
	s6 =	simm.s32 @!p1 $0x1082;
	[sflag:s4] =	ssyncset.s32 $0xFFFFF086  }
0x25: {  	[simem:s6], [sflag:s4] =	dma.local [hbm:s3], $0xF7A  }
0x26: {  	[smem:$0x3F9B] =	sst s1;
	(tag) =	ssettag s2;
	_ =	strace s9  }
0x27: {  	s1 =	sld [smem:$0x3FAB]  }
0x28: {  	s2 =	sld [smem:$0x3FAC]  }
0x29: {  	s4 =	sld [smem:$0x3FAE]  }
0x2a: {  	p0 =	seq.s32 s5, $0x0;
	s5 =	sld [smem:$0x3FAF]  }
0x2b: {  	s6 =	sld [smem:$0x3FB0]  }
0x2c: {  	s7 =	sld [smem:$0x3FB1]  }
0x2d: {  	s3 =	simm.s32 $0x108;
	s8 =	sld [smem:$0x3FB2]  }
0x2e: {  	s3 =	simm.s32 @!p0 $0x1082;
	s9 =	sld [smem:$0x3FB3]  }
0x2f: {  	lr =	sadd.s32 s0, s3;
	s0 =	sld [smem:$0x3FAA]  }
0x30: {  	s3 =	sld [smem:$0x3FAD]  }
0x31: {  	[smem:$0x3FB6] =	sst s10  }
0x32: {  	s10 =	sld [smem:$0x3FB4];
	_ =	sdelay $0x3  }
0x33: {  	p0 =	seq.s32 s10, $0x1;
	s10 =	sld [smem:$0x3FB6];
	_ =	sdelay $0x3  }
0x34: {  	[smem:$0x3FB6] =	sst s10  }
0x35: {  	s10 =	sld [smem:$0x3FB5];
	_ =	sdelay $0x3  }
0x36: {  	p1 =	seq.s32 s10, $0x1;
	s10 =	sld [smem:$0x3FB6];
	_ =	sdelay $0x3  }
0x37: {  	[smem:$0x3FB6] =	sst s10  }
0x38: {  	s10 =	sld [smem:$0x3FB7]  }
0x39: {  	_ = 	snop;
	(pc) =	sbr.ind lr, $3  }
0x3a: {  	_ = 	snop  }
0x3b: {  	_ = 	snop  }
0x3c: {  	p2 =	seq.s32 s10, $0x1;
	s10 =	sld [smem:$0x3FB6]  }
0x3d: {  	_ =	shalt  }
0x3e: {  	_ =	shalt  }
0x3f: {  	_ =	shalt  }
0x40: {  	_ =	shalt  }
0x41: {  	_ =	shalt  }
0x42: {  	_ =	shalt  }
0x43: {  	_ =	shalt  }
0x44: {  	_ =	shalt  }
0x45: {  	_ =	shalt  }
0x46: {  	_ =	shalt  }
0x47: {  	_ =	shalt  }
0x48: {  	_ =	shalt  }
0x49: {  	_ =	shalt  }
0x4a: {  	_ =	shalt  }
0x4b: {  	_ =	shalt  }
0x4c: {  	_ =	shalt  }
0x4d: {  	_ =	shalt  }
0x4e: {  	_ =	shalt  }
0x4f: {  	_ =	shalt  }
0x50: {  	_ =	shalt  }
0x51: {  	_ =	shalt  }
0x52: {  	_ =	shalt  }
0x53: {  	_ =	shalt  }
0x54: {  	_ =	shalt  }
0x55: {  	_ =	shalt  }
0x56: {  	_ =	shalt  }
0x57: {  	_ =	shalt  }
0x58: {  	_ =	shalt  }
0x59: {  	_ =	shalt  }
0x5a: {  	_ =	shalt  }
0x5b: {  	_ =	shalt  }
0x5c: {  	_ =	shalt  }
0x5d: {  	_ =	shalt  }
0x5e: {  	_ =	shalt  }
0x5f: {  	_ =	shalt  }
0x60: {  	_ =	shalt  }
0x61: {  	_ =	shalt  }
0x62: {  	_ =	shalt  }
0x63: {  	_ =	shalt  }
0x64: {  	_ =	shalt  }
0x65: {  	_ =	shalt  }
0x66: {  	_ =	shalt  }
0x67: {  	_ =	shalt  }
0x68: {  	_ =	shalt  }
0x69: {  	_ =	shalt  }
0x6a: {  	_ =	shalt  }
0x6b: {  	_ =	shalt  }
0x6c: {  	_ =	shalt  }
0x6d: {  	_ =	shalt  }
0x6e: {  	_ =	shalt  }
0x6f: {  	_ =	shalt  }
0x70: {  	_ =	shalt  }
0x71: {  	_ =	shalt  }
0x72: {  	_ =	shalt  }
0x73: {  	_ =	shalt  }
0x74: {  	_ =	shalt  }
0x75: {  	_ =	shalt  }
0x76: {  	_ =	shalt  }
0x77: {  	_ =	shalt  }
0x78: {  	_ =	shalt  }
0x79: {  	_ =	shalt  }
0x7a: {  	_ =	shalt  }
0x7b: {  	_ =	shalt  }
0x7c: {  	_ =	shalt  }
0x7d: {  	_ =	shalt  }
0x7e: {  	_ =	shalt  }
0x7f: {  	_ =	shalt  }
0x80: {  	_ =	shalt  }
0x81: {  	_ =	shalt  }
0x82: {  	_ =	shalt  }
0x83: {  	_ =	shalt  }
0x84: {  	_ =	shalt  }
0x85: {  	_ =	shalt  }
0x86: {  	_ =	shalt  }
0x87: {  	_ =	shalt  }
.Lfunc_end0:
.L_simem_size_0:
called_computation_lowered:
.L_overlay_start_0:
0x88: {  	s2 =	sld [smem:$0x3FD9]  }
0x89: {  	s3 =	sld [smem:$0x3FFE];
	_ =	sdelay $0x1  }
0x8a: {  	s1 =	srdreg.scid  }
0x8b: {  	s0 =	sand.u32 $0x1, s1  }
0x8c: {  	s17 =	sshll.u32 s0, $0xA;
	s2 =	sadd.s32 s3, s2  }
0x8d: {  	s2 =	sadd.s32 s2, s17  }
0x8e: {  	[smem:$0x3FC2] =	sst s2  }
0x8f: {  	_ = 	snop  }
0x90: {  	s2 =	sld [smem:$0x3FD0];
	(tm) =	ssettm $0x1  }
0x91: {  	s18 =	sld [smem:$0x3FFB];
	_ =	sdelay $0x3  }
0x92: {  	_ =	strace s18  }
0x93: {  	s3 =	sld [smem:$0x3FFC];
	_ =	sdelay $0x3  }
0x94: {  	_ =	strace s3  }
0x95: {  	s3 =	sld [smem:$0x3FFD];
	_ =	sdelay $0x3  }
0x96: {  	_ =	strace s3  }
0x97: {  	_ =	strace $0x8FFFFFFF  }
0x98: {  	s19 =	sld [smem:$0x3FDB];
	_ =	sdelay $0x1  }
0x99: {  	s4 =	simm.s32 $_scs_section_size  }
0x9a: {  	s5 =	simm.s32 $_size__tile_overlayer_lowered;
	s6 =	simm.s32 $_tile_overlayer_lowered  }
0x9b: {  	s22 =	simm.s32 $0x1BFF;
	s21 =	sshll.u32 s6, $0x1;
	s3 =	sadd.s32 s4, s19  }
0x9c: {  	s7 =	simm.s32 $0x0;
	s20 =	sshll.u32 s5, $0x1;
	s5 =	sadd.s32 s21, s3  }
0x9d: {  	[timem:s7], [sflag:s22] =	dma.local [hbm:s5], s20  }
0x9e: {  	_ =	swait.ge [sflag:s22], s20  }
0x9f: {  	s4 =	ssub.s32 $0x0, s20;
	[sflag:s22] =	ssyncset.done $0x0  }
0xa0: {  	[sflag:s22] =	ssyncadd.s32 s4;
	_ =	sdelay $0x1  }
0xa1: {  	s23 =	simm.s32 $0x1B8B  }
0xa2: {  	_ =	swait.ge [sflag:s23], $0x1  }
0xa3: {  	[sflag:s23] =	ssyncset.done $0x0  }
0xa4: {  	s25 =	simm.s32 $0x1B8E;
	s24 =	sld [smem:$0x3FFE];
	[sflag:s23] =	ssyncadd.s32 $0xFFFFFFFF  }
0xa5: {  	s26 =	simm.s32 $execute0_lowered;
	[smem:$0x3FD2] =	sst s25  }
0xa6: {  	s5 =	sshll.u32 s26, $0x1;
	_ =	strace $0x80000046;
	[dreg:$0x1] =	wrdreg $0xFFFFFFFF  }
0xa7: {  	s28 =	simm.s32 $_size_execute0_lowered;
	s3 =	sadd.s32 s3, s5;
	[dreg:$0x0] =	wrdreg $0x0  }
0xa8: {  	s5 =	sshll.u32 s28, $0x1;
	[dreg:$0x2] =	wrdreg s3  }
0xa9: {  	[dreg:$0x3] =	wrdreg s5  }
0xaa: {  	[dreg:$0x4] =	wrdreg $0xC0  }
0xab: {  	_ =	task [dreg:s7], $0x5FFFF  }
0xac: {  	[dreg:$0x1] =	wrdreg $0xFFFFFFFF  }
0xad: {  	[dreg:$0x0] =	wrdreg $0x60  }
0xae: {  	[dreg:$0x2] =	wrdreg s2  }
0xaf: {  	[dreg:$0x3] =	wrdreg s24  }
0xb0: {  	[dreg:$0x4] =	wrdreg $0x27600  }
0xb1: {  	[dreg:$0x5] =	wrdreg $0x9  }
0xb2: {  	_ =	task.clear_ibuf [dreg:s7], $0x6FFFF;
	_ =	strace $0x90000046  }
0xb3: {  	s29 =	simm.s32 $0x9;
	_ =	strace $0x80000048  }
0xb4: {  	_ =	swait.ge [sflag:s29], $0x1  }
0xb5: {  	[sflag:s29] =	ssyncadd.s32 $0xFFFFFFFF  }
0xb6: {  	_ =	strace $0x90000048  }
0xb7: {  	_ =	sfence  }
0xb8: {  	s30 =	sld [smem:$0x0];
	_ =	sdelay $0x2  }
0xb9: {  	s31 =	sshll.u32 s1, $0xD;
	s1 =	sshrl.u32 s1, $0x2  }
0xba: {  	s3 =	sand.u32 $0x4000, s31;
	s1 =	sadd.s32 s1, s30  }
0xbb: {  	s0 =	sor.u32 s3, s0;
	s1 =	sshll.u32 s1, $0x11  }
0xbc: {  	s0 =	sor.u32 s1, s0  }
0xbd: {  	s0 =	sadd.s32 $0x8F2B, s0  }
0xbe: {  	[sflag:s0] =	ssyncadd.remote.s32 $0x1  }
0xbf: {  	_ =	sfence.sel $0xFFFF  }
0xc0: {  	[dreg:$0x0] =	wrdreg $0xFFFFFFFF;
	(pc) =	sbr.abs _section_cstart, $3  }
0xc1: {  	[dreg:$0x1] =	wrdreg $0xFFFFFFFF  }
0xc2: {  	_ =	task.clear_ibuf [dreg:s7], $0x2FFFF;
	_ =	strace $0x9FFFFFFF  }
0xc3: {  	(tm) =	ssettm $0x7FFFFFFF  }
tec
execute0_lowered:
.L_overlay_start_1:
0x0: {  	(tag) =	ssettag $0x1  }
0x1: {  	s6 =	rddreg [dreg:$0x0]  }
0x2: {  	s5 =	rddreg [dreg:$0x1]  }
0x3: {  	s2 =	rddreg [dreg:$0x2]  }
0x4: {  	s1 =	stileid.u32;
	s0 =	rddreg [dreg:$0x3];
	s3 =	simm.s32 $0x0  }
0x5: {  	s7 =	srdreg.scid;
	s12 =	simm.s32 $0x50;
	s13 =	simm.s32 $0x2710  }
0x6: {  	s4 =	smul.u32 $0x270, s1;
	[smem:$0x7FF] =	sst s3;
	s7 =	sand.u32 $0x1, s7  }
0x7: {  	p0 =	seq.s32 s1, $0xF;
	_ =	strace $0x80000047;
	s8 =	smul.u32 $0x4E2, s7  }
0x8: {  	s9 =	ssub.s32 $0x2, s7;
	s7 =	sshll.u32 s7, $0x4;
	s15 =	sshrl.u32 s4, $0x3  }
0x9: {  	s11 =	sshrl.u32 s9, $0x1;
	s7 =	sor.u32 s1, s7;
	s10 =	sadd.s32 s15, s5  }
0xa: {  	s8 =	sadd.s32 s8, s5;
	s9 =	ssub.s32 s9, s11;
	s7 =	smul.u32 $0x4E2, s7  }
0xb: {  	s11 =	sadd.s32 s4, s2;
	s5 =	sadd.s32 $0x2092, s5;
	s4 =	sadd.s32 $0x1C00, s10  }
0xc: {  	s10 =	sadd.s32 $0x2490, s2;
	s16 =	sadd.s32 $0x2200, s8;
	s6 =	sadd.s32 s6, s7  }
0xd: {  	s7 =	smax.u32 s9, $0x1;
	s9 =	sshll.u32 @!p0 s1, $0x6;
	s8 =	sshrl.u32 @p0 s10, $0x3  }
0xe: {  	s10 =	sshrl.u32 @!p0 s11, $0x3;
	s11 =	simm.s32 $0x1;
	s14 =	sadd.s32 @p0 $0x492, s16  }
0xf: {  	v0 =	vimm.f32 $1.000000000e+00;
	s15 =	sadd.s32 @!p0 s15, s16;
	s16 =	simm.s32 $0x0;
	s9 =	sor.u32 @!p0 $0x1C01, s9  }
.LBB2_1:
0x10: {  	[tilespmem:$0x2710] =	vst v0  }
0x11: {  	[tilespmem:$0x2720] =	vst v0  }
0x12: {  	[tilespmem:$0x2730] =	vst v0  }
0x13: {  	[tilespmem:$0x2740] =	vst v0  }
0x14: {  	[tilespmem:$0x2750] =	vst v0;
	s17 =	simm.s32 @p0 $0x1FC1  }
0x15: {  	[spmem:s8], [sflag:s17] =	dma.local @p0 [hbm:s5], $0x50  }
0x16: {  	s17 =	simm.s32 @p0 $0x1  }
0x17: {  	_ =	swait.ge @p0 [sflag:s17], $0x50  }
0x18: {  	[sflag:s17] =	ssyncset.done @p0 $0x0  }
0x19: {  	[sflag:s17] =	ssyncadd.s32 @p0 $0xFFFFFFB0;
	s17 =	simm.s32 @!p0 $0x1  }
0x1a: {  	[spmem:s10], [sflag:s9] =	dma.local @!p0 [hbm:s4], $0x4E  }
0x1b: {  	_ =	swait.ge @!p0 [sflag:s17], $0x4E  }
0x1c: {  	[sflag:s17] =	ssyncset.done @!p0 $0x0  }
0x1d: {  	[sflag:s17] =	ssyncadd.s32 @!p0 $0xFFFFFFB2  }
0x1e: {  	[tilespmem:s3], [sflag:$0x1] =	stream.linear.gather [hbm4b:s6+s3], $0x2710, $0x38;
	[tilespmem:$0x29D8] =	vst v63  }
0x1f: {  	_ =	swait.ge [sflag:s11], $0x2710  }
0x20: {  	[sflag:s11] =	ssyncset.done $0x0  }
0x21: {  	[sflag:s11] =	ssyncadd.s32 $0xFFFFD8F0  }
0x22: {  	s31 =	simm.s32 $0x0;
	[bflag:$0x0] =	sbarrier.arrive $0xFFFF  }
0x23: {  	[spmem:s2] =	stream.indirect.scatter.add.f32 [tilespmem:s13], [sflag:$0x1], $0x1, s31, s12, $0xb8;
	[tilespmem:$0x29D8] =	vst v63  }
0x24: {  	_ =	swait.ge [sflag:s11], $0x50  }
0x25: {  	s17 =	simm.s32 $0x140;
	[sflag:s11] =	ssyncset.done $0x0  }
.LBB2_2:
0x26: {  	s18 =	sshra.s32 s17, $0x2;
	[sflag:s11] =	ssyncadd.s32 $0xFFFFFFB0;
	p1 =	sne.s32 s17, $0x9B00  }
0x27: {  	[spmem:s2] =	stream.indirect.scatter.add.f32 [tilespmem:s13], [sflag:$0x1], $0x1, s18, s12, $0xb8;
	[tilespmem:$0x29D8] =	vst v63  }
.Ltmp0:
0x28: {  	_ = 	snop;
	(pc) =	sbr.rel @p1 .LBB2_2-.Ltmp0, $4  }
0x29: {  	_ = 	snop  }
0x2a: {  	s17 =	sadd.s32 $0x140, s17  }
0x2b: {  	_ =	swait.ge [sflag:s11], $0x50  }
0x2c: {  	[sflag:s11] =	ssyncset.done $0x0  }
0x2d: {  	[sflag:s11] =	ssyncadd.s32 $0xFFFFFFB0  }
0x2e: {  	s17 =	simm.s32 @p0 $0x1FC1;
	[bflag:$0x0] =	sbarrier.arrive $0xFFFF  }
0x2f: {  	[hbm:s14], [sflag:s17] =	dma.local @p0 [spmem:s8], $0x50  }
0x30: {  	s17 =	simm.s32 @p0 $0x1  }
0x31: {  	s16 =	sadd.s32 $0x1, s16;
	_ =	swait.ge @p0 [sflag:s17], $0x50  }
0x32: {  	p1 =	sne.s32 s16, s7;
	[sflag:s17] =	ssyncset.done @p0 $0x0  }
.Ltmp1:
0x33: {  	[sflag:s17] =	ssyncadd.s32 @p0 $0xFFFFFFB0;
	s17 =	simm.s32 @!p0 $0x1;
	(pc) =	sbr.rel @p1 .LBB2_1-.Ltmp1, $4  }
0x34: {  	[hbm:s15], [sflag:s9] =	dma.local @!p0 [spmem:s10], $0x4E  }
0x35: {  	_ =	swait.ge @!p0 [sflag:s17], $0x4E  }
0x36: {  	[sflag:s17] =	ssyncset.done @!p0 $0x0  }
0x37: {  	[sflag:s17] =	ssyncadd.s32 @!p0 $0xFFFFFFB2  }
0x38: {  	_ =	sfence.sel $0x180000  }
0x39: {  	[bflag:$0x0] =	sbarrier.arrive $0xFFFF  }
0x3a: {  	p0 =	sne.s32 s1, $0x0;
	_ =	strace $0x90000047  }
0x3b: {  	s0 =	sadd.s32 @!p0 $0x100000, s0;
	[bflag:$0x2] =	sbarrier.arrive $0xFFFF  }
0x3c: {  	[sflag:s0] =	ssyncadd.tile.s32 @!p0 $0x1;
	_ =	shalt  }
.Lfunc_end2:
_tile_overlayer_lowered:
.L_overlay_start_2:
0x3d: {  	(tag) =	ssettag $0x2  }
0x3e: {  	s0 =	rddreg [dreg:$0x0];
	s2 =	stileid.u32  }
0x3f: {  	s1 =	rddreg [dreg:$0x1];
	p0 =	sne.s32 s2, $0x0  }
0x40: {  	s3 =	rddreg [dreg:$0x2];
	[bflag:$0x3] =	sbarrier.arrive $0xFFFF;
	s2 =	simm.s32 @!p0 $0x1C01  }
0x41: {  	[timem:s3], [sflag:s2] =	dma.local @!p0 [hbm:s0], s1  }
0x42: {  	s0 =	simm.s32 @!p0 $0x1  }
0x43: {  	_ =	swait.ge @!p0 [sflag:s0], s1  }
0x44: {  	s1 =	ssub.s32 @!p0 $0x0, s1;
	[sflag:s0] =	ssyncset.done @!p0 $0x0  }
0x45: {  	[sflag:s0] =	ssyncadd.s32 @!p0 s1  }
0x46: {  	[bflag:$0x3] =	sbarrier.arrive $0xFFFF  }
0x47: {  	_ =	shalt  }

</sc_bundles>
